<compile_context>
chip_gen: v7x
topology: tpu7x:2x2x1
jax: 0.10.2.dev20260603
libtpu: 0.0.44.dev20260713+nightly
codegen_flags: <defaults>
</compile_context>

<pallas_src>
import functools

import jax
import jax.numpy as jnp
from jax import lax
from jax.experimental import pallas as pl
from jax.experimental.pallas import tpu as pltpu
from jax.experimental.pallas import tpu_sc as plsc

_BATCH = 16384
_NUM_COLS = 26
_D = 32

_NC = 2
_NS = 16
_NW = _NC * _NS
_BPW = _BATCH // _NW
_IPW = _BPW * _NUM_COLS
_CHB = 8
_NCH = _BPW // _CHB


def kernel(x, tables):
    mesh = plsc.VectorSubcoreMesh(core_axis_name="c", subcore_axis_name="s")

    @functools.partial(
        pl.kernel,
        mesh=mesh,
        out_type=jax.ShapeDtypeStruct((_BATCH, _NUM_COLS, _D), jnp.float32),
        scratch_types=[
            pltpu.VMEM((_IPW,), jnp.int32),
            pltpu.VMEM((_CHB, _NUM_COLS, _D), jnp.float32),
            pltpu.SemaphoreType.DMA,
        ],
    )
    def run(x_hbm, tbl_hbm, out_hbm, xb, rows, sem):
        wid = lax.axis_index("s") * _NC + lax.axis_index("c")
        row0 = wid * _BPW
        pltpu.sync_copy(x_hbm.at[pl.ds(row0 * _NUM_COLS, _IPW)], xb)

        def chunk(t, carry):
            @plsc.parallel_loop(0, _CHB, 1, unroll=4)
            def bloop(bb):
                p = (t * _CHB + bb) * _NUM_COLS
                lo = xb[pl.ds(p, 16)]
                hi = xb[pl.ds(p + _NUM_COLS - 16, 16)]
                copies = []
                for c in range(_NUM_COLS):
                    idx = (lo[c] if c < 16 else hi[c - (_NUM_COLS - 16)]) + 1
                    copies.append(pltpu.async_copy(
                        tbl_hbm.at[c, idx], rows.at[bb, c], sem))
                for cp in copies:
                    cp.wait()

            pltpu.sync_copy(rows, out_hbm.at[pl.ds(row0 + t * _CHB, _CHB)])
            return carry

        lax.fori_loop(0, _NCH, chunk, 0)

    return run(x.reshape(_BATCH * _NUM_COLS), tables)

# --- scband reference (transcript-rebuilt; emitter-appended) ---
"""Pipeline reference for scband-embedding-encoder-16741782520226 (READ-ONLY COPY).

The authoritative reference and input builder live on the scoring server;
editing this copy changes nothing except your own understanding.
"""

import jax, jax.numpy as jnp
import numpy as np

BATCH = 16384
NUM_COLS = 26
NUM_CATEGORIES = 100000  # per column; table has NUM_CATEGORIES + 1 rows (row 0 = padding)
OUT_CHANNELS = 32


def setup_inputs(seed: int = 0) -> dict:
    key = jax.random.key(seed)
    k_x, k_t = jax.random.split(key)
    # categorical indices in [0, NUM_CATEGORIES); -1 would denote NaN (maps to padding row 0 after +1)
    x = jax.random.randint(k_x, (BATCH, NUM_COLS), 0, NUM_CATEGORIES, dtype=jnp.int32)
    # one embedding table per column, stacked: [NUM_COLS, NUM_CATEGORIES + 1, OUT_CHANNELS]
    tables = jax.random.normal(k_t, (NUM_COLS, NUM_CATEGORIES + 1, OUT_CHANNELS), dtype=jnp.float32)
    # padding_idx = 0 -> non-learnable all-zero embedding
    tables = tables.at[:, 0, :].set(0.0)
    return {"x": x, "tables": tables}


def reference(x, tables):
    # EmbeddingEncoder.forward: shift indices by +1 (NaN=-1 -> padding 0),
    # per-column embedding lookup, then stack along dim=1.
    xp = x + 1
    xs = []
    for i in range(NUM_COLS):
        idx = xp[:, i]
        emb_i = jnp.take(tables[i], idx, axis=0)
        # enforce padding_idx=0 semantics (all-zero, non-learnable)
        mask = (idx != 0).astype(emb_i.dtype)[:, None]
        xs.append(emb_i * mask)
    out = jnp.stack(xs, axis=1)  # [BATCH, NUM_COLS, OUT_CHANNELS]
    return out

if __name__ == "__main__":
    import jax
    _d = setup_inputs()
    print(jax.jit(kernel)(*tuple(_d.values())))

</pallas_src>

<mosaic_0001>
#map = affine_map<(d0, d1) -> (0)>
#map1 = affine_map<(d0, d1) -> (0, 0, 0)>
module attributes {stable_mosaic.version = 14 : i64} {
  func.func @run(%arg0: i32, %arg1: i32, %arg2: memref<425984xi32, #tpu.memory_space<hbm>>, %arg3: memref<26x100001x32xf32, #tpu.memory_space<hbm>>, %arg4: memref<16384x26x32xf32, #tpu.memory_space<hbm>>, %arg5: memref<13312xi32, #tpu.memory_space<vmem>>, %arg6: memref<8x26x32xf32, #tpu.memory_space<vmem>>, %arg7: memref<!tpu.dma_semaphore, #tpu.memory_space<semaphore_mem>>) attributes {dimension_semantics = [#tpu.dimension_semantics<core_parallel>, #tpu.dimension_semantics<subcore_parallel>], iteration_bounds = array<i64: 2, 16>, scalar_prefetch = 0 : i64, scratch_operands = 3 : i64, tpu.core_type = #tpu.core_type<sc_vector_subcore>, window_params = [{transform_indices = #map}, {transform_indices = #map1}, {transform_indices = #map1}]} {
    %mul3A = arith.constant 2 : i32
    %mul3A_0 = arith.muli %arg1, %mul3A : i32
    %add3A = arith.addi %mul3A_0, %arg0 : i32
    %mul3A_1 = arith.constant 512 : i32
    %mul3A_2 = arith.muli %add3A, %mul3A_1 : i32
    %mul3A_3 = arith.constant 26 : i32
    %mul3A_4 = arith.muli %mul3A_2, %mul3A_3 : i32
    "tpu.region"() ({
      %run_scoped3A = tpu.sem_alloc : memref<!tpu.dma_semaphore, #tpu.memory_space<semaphore_mem>>
      %dma_start3A = tpu.memref_slice %arg2[%mul3A_4] : memref<425984xi32, #tpu.memory_space<hbm>> -> memref<13312xi32, #tpu.memory_space<hbm>>
      %dma_start3A_10 = tpu.memref_slice %arg2[%mul3A_4] : memref<425984xi32, #tpu.memory_space<hbm>> -> memref<13312xi32, #tpu.memory_space<hbm>>
      tpu.enqueue_dma source(%dma_start3A_10 : memref<13312xi32, #tpu.memory_space<hbm>>) target(%arg5 : memref<13312xi32, #tpu.memory_space<vmem>>) target_semaphore(%run_scoped3A : memref<!tpu.dma_semaphore, #tpu.memory_space<semaphore_mem>>)
      %dma_wait3A = tpu.memref_slice %arg2[%mul3A_4] : memref<425984xi32, #tpu.memory_space<hbm>> -> memref<13312xi32, #tpu.memory_space<hbm>>
      %dma_wait3A_11 = tpu.memref_slice %arg2[%mul3A_4] : memref<425984xi32, #tpu.memory_space<hbm>> -> memref<13312xi32, #tpu.memory_space<hbm>>
      tpu.wait_dma2 semaphore(%run_scoped3A : memref<!tpu.dma_semaphore, #tpu.memory_space<semaphore_mem>>) src(%dma_wait3A_11 : memref<13312xi32, #tpu.memory_space<hbm>>) dst(%arg5 : memref<13312xi32, #tpu.memory_space<vmem>>)
      tpu.yield
    }) : () -> ()
    %scan3A = arith.constant 0 : i32
    %scan3A_5 = arith.constant 0 : i32
    %scan3A_6 = arith.constant 64 : i32
    %scan3A_7 = arith.addi %scan3A_5, %scan3A_6 : i32
    %scan3A_8 = arith.constant 1 : i32
    scf.for %scan3A_10 = %scan3A_5 to %scan3A_7 step %scan3A_8  : i32 {
      %parallel_loop3A = arith.constant 0 : i32
      %parallel_loop3A_11 = arith.constant 8 : i32
      %parallel_loop3A_12 = arith.constant 1 : i32
      scf.for %parallel_loop3A_16 = %parallel_loop3A to %parallel_loop3A_11 step %parallel_loop3A_12  : i32 {
        %parallel_loop3A_17 = arith.constant 8 : i32
        %parallel_loop3A_18 = arith.muli %scan3A_10, %parallel_loop3A_17 : i32
        %parallel_loop3A_19 = arith.addi %parallel_loop3A_18, %parallel_loop3A_16 : i32
        %parallel_loop3A_20 = arith.constant 26 : i32
        %parallel_loop3A_21 = arith.muli %parallel_loop3A_19, %parallel_loop3A_20 : i32
        %parallel_loop3A_22 = arith.index_cast %parallel_loop3A_21 : i32 to index
        %parallel_loop3A_23 = tpu.vector_load %arg5[%parallel_loop3A_22] {strides = array<i32>} : memref<13312xi32, #tpu.memory_space<vmem>>, vector<16xi32>,
        %parallel_loop3A_24 = vector.shape_cast %parallel_loop3A_23 : vector<16xi32> to vector<16xi32>
        %parallel_loop3A_25 = arith.constant 26 : i32
        %parallel_loop3A_26 = arith.addi %parallel_loop3A_21, %parallel_loop3A_25 : i32
        %parallel_loop3A_27 = arith.constant 16 : i32
        %parallel_loop3A_28 = arith.subi %parallel_loop3A_26, %parallel_loop3A_27 : i32
        %parallel_loop3A_29 = arith.index_cast %parallel_loop3A_28 : i32 to index
        %parallel_loop3A_30 = tpu.vector_load %arg5[%parallel_loop3A_29] {strides = array<i32>} : memref<13312xi32, #tpu.memory_space<vmem>>, vector<16xi32>,
        %parallel_loop3A_31 = vector.shape_cast %parallel_loop3A_30 : vector<16xi32> to vector<16xi32>
        %parallel_loop3A_32 = vector.extract_strided_slice %parallel_loop3A_24 {offsets = [0], sizes = [1], strides = [1]} : vector<16xi32> to vector<1xi32>
        %parallel_loop3A_33 = vector.extract %parallel_loop3A_32[0] : i32 from vector<1xi32>
        %parallel_loop3A_34 = arith.constant 1 : i32
        %parallel_loop3A_35 = arith.addi %parallel_loop3A_33, %parallel_loop3A_34 : i32
        %parallel_loop3A_36 = arith.constant 0 : i32
        %parallel_loop3A_37 = arith.constant 0 : i32
        %parallel_loop3A_38 = arith.constant 0 : i32
        %parallel_loop3A_39 = tpu.memref_slice %arg6[%parallel_loop3A_16, %parallel_loop3A_37, %parallel_loop3A_38] : memref<8x26x32xf32, #tpu.memory_space<vmem>> -> memref<1x1x32xf32, #tpu.memory_space<vmem>>
        %parallel_loop3A_40 = tpu.memref_squeeze %parallel_loop3A_39 : memref<1x1x32xf32, #tpu.memory_space<vmem>> -> memref<32xf32, #tpu.memory_space<vmem>>
        %parallel_loop3A_41 = arith.constant 0 : i32
        %parallel_loop3A_42 = tpu.memref_slice %arg3[%parallel_loop3A_36, %parallel_loop3A_35, %parallel_loop3A_41] : memref<26x100001x32xf32, #tpu.memory_space<hbm>> -> memref<1x1x32xf32, #tpu.memory_space<hbm>>
        %parallel_loop3A_43 = tpu.memref_squeeze %parallel_loop3A_42 : memref<1x1x32xf32, #tpu.memory_space<hbm>> -> memref<32xf32, #tpu.memory_space<hbm>>
        %parallel_loop3A_44 = arith.constant 0 : i32
        %parallel_loop3A_45 = tpu.memref_slice %arg6[%parallel_loop3A_16, %parallel_loop3A_37, %parallel_loop3A_44] : memref<8x26x32xf32, #tpu.memory_space<vmem>> -> memref<1x1x32xf32, #tpu.memory_space<vmem>>
        %parallel_loop3A_46 = tpu.memref_squeeze %parallel_loop3A_45 : memref<1x1x32xf32, #tpu.memory_space<vmem>> -> memref<32xf32, #tpu.memory_space<vmem>>
        %parallel_loop3A_47 = arith.constant 0 : i32
        %parallel_loop3A_48 = tpu.memref_slice %arg3[%parallel_loop3A_36, %parallel_loop3A_35, %parallel_loop3A_47] : memref<26x100001x32xf32, #tpu.memory_space<hbm>> -> memref<1x1x32xf32, #tpu.memory_space<hbm>>
        %parallel_loop3A_49 = tpu.memref_squeeze %parallel_loop3A_48 : memref<1x1x32xf32, #tpu.memory_space<hbm>> -> memref<32xf32, #tpu.memory_space<hbm>>
        tpu.enqueue_dma source(%parallel_loop3A_49 : memref<32xf32, #tpu.memory_space<hbm>>) target(%parallel_loop3A_46 : memref<32xf32, #tpu.memory_space<vmem>>) target_semaphore(%arg7 : memref<!tpu.dma_semaphore, #tpu.memory_space<semaphore_mem>>)
        %parallel_loop3A_50 = vector.extract_strided_slice %parallel_loop3A_24 {offsets = [1], sizes = [1], strides = [1]} : vector<16xi32> to vector<1xi32>
        %parallel_loop3A_51 = vector.extract %parallel_loop3A_50[0] : i32 from vector<1xi32>
        %parallel_loop3A_52 = arith.constant 1 : i32
        %parallel_loop3A_53 = arith.addi %parallel_loop3A_51, %parallel_loop3A_52 : i32
        %parallel_loop3A_54 = arith.constant 1 : i32
        %parallel_loop3A_55 = arith.constant 1 : i32
        %parallel_loop3A_56 = arith.constant 0 : i32
        %parallel_loop3A_57 = tpu.memref_slice %arg6[%parallel_loop3A_16, %parallel_loop3A_55, %parallel_loop3A_56] : memref<8x26x32xf32, #tpu.memory_space<vmem>> -> memref<1x1x32xf32, #tpu.memory_space<vmem>>
        %parallel_loop3A_58 = tpu.memref_squeeze %parallel_loop3A_57 : memref<1x1x32xf32, #tpu.memory_space<vmem>> -> memref<32xf32, #tpu.memory_space<vmem>>
        %parallel_loop3A_59 = arith.constant 0 : i32
        %parallel_loop3A_60 = tpu.memref_slice %arg3[%parallel_loop3A_54, %parallel_loop3A_53, %parallel_loop3A_59] : memref<26x100001x32xf32, #tpu.memory_space<hbm>> -> memref<1x1x32xf32, #tpu.memory_space<hbm>>
        %parallel_loop3A_61 = tpu.memref_squeeze %parallel_loop3A_60 : memref<1x1x32xf32, #tpu.memory_space<hbm>> -> memref<32xf32, #tpu.memory_space<hbm>>
        %parallel_loop3A_62 = arith.constant 0 : i32
        %parallel_loop3A_63 = tpu.memref_slice %arg6[%parallel_loop3A_16, %parallel_loop3A_55, %parallel_loop3A_62] : memref<8x26x32xf32, #tpu.memory_space<vmem>> -> memref<1x1x32xf32, #tpu.memory_space<vmem>>
        %parallel_loop3A_64 = tpu.memref_squeeze %parallel_loop3A_63 : memref<1x1x32xf32, #tpu.memory_space<vmem>> -> memref<32xf32, #tpu.memory_space<vmem>>
        %parallel_loop3A_65 = arith.constant 0 : i32
        %parallel_loop3A_66 = tpu.memref_slice %arg3[%parallel_loop3A_54, %parallel_loop3A_53, %parallel_loop3A_65] : memref<26x100001x32xf32, #tpu.memory_space<hbm>> -> memref<1x1x32xf32, #tpu.memory_space<hbm>>
        %parallel_loop3A_67 = tpu.memref_squeeze %parallel_loop3A_66 : memref<1x1x32xf32, #tpu.memory_space<hbm>> -> memref<32xf32, #tpu.memory_space<hbm>>
        tpu.enqueue_dma source(%parallel_loop3A_67 : memref<32xf32, #tpu.memory_space<hbm>>) target(%parallel_loop3A_64 : memref<32xf32, #tpu.memory_space<vmem>>) target_semaphore(%arg7 : memref<!tpu.dma_semaphore, #tpu.memory_space<semaphore_mem>>)
        %parallel_loop3A_68 = vector.extract_strided_slice %parallel_loop3A_24 {offsets = [2], sizes = [1], strides = [1]} : vector<16xi32> to vector<1xi32>
        %parallel_loop3A_69 = vector.extract %parallel_loop3A_68[0] : i32 from vector<1xi32>
        %parallel_loop3A_70 = arith.constant 1 : i32
        %parallel_loop3A_71 = arith.addi %parallel_loop3A_69, %parallel_loop3A_70 : i32
        %parallel_loop3A_72 = arith.constant 2 : i32
        %parallel_loop3A_73 = arith.constant 2 : i32
        %parallel_loop3A_74 = arith.constant 0 : i32
        %parallel_loop3A_75 = tpu.memref_slice %arg6[%parallel_loop3A_16, %parallel_loop3A_73, %parallel_loop3A_74] : memref<8x26x32xf32, #tpu.memory_space<vmem>> -> memref<1x1x32xf32, #tpu.memory_space<vmem>>
        %parallel_loop3A_76 = tpu.memref_squeeze %parallel_loop3A_75 : memref<1x1x32xf32, #tpu.memory_space<vmem>> -> memref<32xf32, #tpu.memory_space<vmem>>
        %parallel_loop3A_77 = arith.constant 0 : i32
        %parallel_loop3A_78 = tpu.memref_slice %arg3[%parallel_loop3A_72, %parallel_loop3A_71, %parallel_loop3A_77] : memref<26x100001x32xf32, #tpu.memory_space<hbm>> -> memref<1x1x32xf32, #tpu.memory_space<hbm>>
        %parallel_loop3A_79 = tpu.memref_squeeze %parallel_loop3A_78 : memref<1x1x32xf32, #tpu.memory_space<hbm>> -> memref<32xf32, #tpu.memory_space<hbm>>
        %parallel_loop3A_80 = arith.constant 0 : i32
        %parallel_loop3A_81 = tpu.memref_slice %arg6[%parallel_loop3A_16, %parallel_loop3A_73, %parallel_loop3A_80] : memref<8x26x32xf32, #tpu.memory_space<vmem>> -> memref<1x1x32xf32, #tpu.memory_space<vmem>>
        %parallel_loop3A_82 = tpu.memref_squeeze %parallel_loop3A_81 : memref<1x1x32xf32, #tpu.memory_space<vmem>> -> memref<32xf32, #tpu.memory_space<vmem>>
        %parallel_loop3A_83 = arith.constant 0 : i32
        %parallel_loop3A_84 = tpu.memref_slice %arg3[%parallel_loop3A_72, %parallel_loop3A_71, %parallel_loop3A_83] : memref<26x100001x32xf32, #tpu.memory_space<hbm>> -> memref<1x1x32xf32, #tpu.memory_space<hbm>>
        %parallel_loop3A_85 = tpu.memref_squeeze %parallel_loop3A_84 : memref<1x1x32xf32, #tpu.memory_space<hbm>> -> memref<32xf32, #tpu.memory_space<hbm>>
        tpu.enqueue_dma source(%parallel_loop3A_85 : memref<32xf32, #tpu.memory_space<hbm>>) target(%parallel_loop3A_82 : memref<32xf32, #tpu.memory_space<vmem>>) target_semaphore(%arg7 : memref<!tpu.dma_semaphore, #tpu.memory_space<semaphore_mem>>)
        %parallel_loop3A_86 = vector.extract_strided_slice %parallel_loop3A_24 {offsets = [3], sizes = [1], strides = [1]} : vector<16xi32> to vector<1xi32>
        %parallel_loop3A_87 = vector.extract %parallel_loop3A_86[0] : i32 from vector<1xi32>
        %parallel_loop3A_88 = arith.constant 1 : i32
        %parallel_loop3A_89 = arith.addi %parallel_loop3A_87, %parallel_loop3A_88 : i32
        %parallel_loop3A_90 = arith.constant 3 : i32
        %parallel_loop3A_91 = arith.constant 3 : i32
        %parallel_loop3A_92 = arith.constant 0 : i32
        %parallel_loop3A_93 = tpu.memref_slice %arg6[%parallel_loop3A_16, %parallel_loop3A_91, %parallel_loop3A_92] : memref<8x26x32xf32, #tpu.memory_space<vmem>> -> memref<1x1x32xf32, #tpu.memory_space<vmem>>
        %parallel_loop3A_94 = tpu.memref_squeeze %parallel_loop3A_93 : memref<1x1x32xf32, #tpu.memory_space<vmem>> -> memref<32xf32, #tpu.memory_space<vmem>>
        %parallel_loop3A_95 = arith.constant 0 : i32
        %parallel_loop3A_96 = tpu.memref_slice %arg3[%parallel_loop3A_90, %parallel_loop3A_89, %parallel_loop3A_95] : memref<26x100001x32xf32, #tpu.memory_space<hbm>> -> memref<1x1x32xf32, #tpu.memory_space<hbm>>
        %parallel_loop3A_97 = tpu.memref_squeeze %parallel_loop3A_96 : memref<1x1x32xf32, #tpu.memory_space<hbm>> -> memref<32xf32, #tpu.memory_space<hbm>>
        %parallel_loop3A_98 = arith.constant 0 : i32
        %parallel_loop3A_99 = tpu.memref_slice %arg6[%parallel_loop3A_16, %parallel_loop3A_91, %parallel_loop3A_98] : memref<8x26x32xf32, #tpu.memory_space<vmem>> -> memref<1x1x32xf32, #tpu.memory_space<vmem>>
        %parallel_loop3A_100 = tpu.memref_squeeze %parallel_loop3A_99 : memref<1x1x32xf32, #tpu.memory_space<vmem>> -> memref<32xf32, #tpu.memory_space<vmem>>
        %parallel_loop3A_101 = arith.constant 0 : i32
        %parallel_loop3A_102 = tpu.memref_slice %arg3[%parallel_loop3A_90, %parallel_loop3A_89, %parallel_loop3A_101] : memref<26x100001x32xf32, #tpu.memory_space<hbm>> -> memref<1x1x32xf32, #tpu.memory_space<hbm>>
        %parallel_loop3A_103 = tpu.memref_squeeze %parallel_loop3A_102 : memref<1x1x32xf32, #tpu.memory_space<hbm>> -> memref<32xf32, #tpu.memory_space<hbm>>
        tpu.enqueue_dma source(%parallel_loop3A_103 : memref<32xf32, #tpu.memory_space<hbm>>) target(%parallel_loop3A_100 : memref<32xf32, #tpu.memory_space<vmem>>) target_semaphore(%arg7 : memref<!tpu.dma_semaphore, #tpu.memory_space<semaphore_mem>>)
        %parallel_loop3A_104 = vector.extract_strided_slice %parallel_loop3A_24 {offsets = [4], sizes = [1], strides = [1]} : vector<16xi32> to vector<1xi32>
        %parallel_loop3A_105 = vector.extract %parallel_loop3A_104[0] : i32 from vector<1xi32>
        %parallel_loop3A_106 = arith.constant 1 : i32
        %parallel_loop3A_107 = arith.addi %parallel_loop3A_105, %parallel_loop3A_106 : i32
        %parallel_loop3A_108 = arith.constant 4 : i32
        %parallel_loop3A_109 = arith.constant 4 : i32
        %parallel_loop3A_110 = arith.constant 0 : i32
        %parallel_loop3A_111 = tpu.memref_slice %arg6[%parallel_loop3A_16, %parallel_loop3A_109, %parallel_loop3A_110] : memref<8x26x32xf32, #tpu.memory_space<vmem>> -> memref<1x1x32xf32, #tpu.memory_space<vmem>>
        %parallel_loop3A_112 = tpu.memref_squeeze %parallel_loop3A_111 : memref<1x1x32xf32, #tpu.memory_space<vmem>> -> memref<32xf32, #tpu.memory_space<vmem>>
        %parallel_loop3A_113 = arith.constant 0 : i32
        %parallel_loop3A_114 = tpu.memref_slice %arg3[%parallel_loop3A_108, %parallel_loop3A_107, %parallel_loop3A_113] : memref<26x100001x32xf32, #tpu.memory_space<hbm>> -> memref<1x1x32xf32, #tpu.memory_space<hbm>>
        %parallel_loop3A_115 = tpu.memref_squeeze %parallel_loop3A_114 : memref<1x1x32xf32, #tpu.memory_space<hbm>> -> memref<32xf32, #tpu.memory_space<hbm>>
        %parallel_loop3A_116 = arith.constant 0 : i32
        %parallel_loop3A_117 = tpu.memref_slice %arg6[%parallel_loop3A_16, %parallel_loop3A_109, %parallel_loop3A_116] : memref<8x26x32xf32, #tpu.memory_space<vmem>> -> memref<1x1x32xf32, #tpu.memory_space<vmem>>
        %parallel_loop3A_118 = tpu.memref_squeeze %parallel_loop3A_117 : memref<1x1x32xf32, #tpu.memory_space<vmem>> -> memref<32xf32, #tpu.memory_space<vmem>>
        %parallel_loop3A_119 = arith.constant 0 : i32
        %parallel_loop3A_120 = tpu.memref_slice %arg3[%parallel_loop3A_108, %parallel_loop3A_107, %parallel_loop3A_119] : memref<26x100001x32xf32, #tpu.memory_space<hbm>> -> memref<1x1x32xf32, #tpu.memory_space<hbm>>
        %parallel_loop3A_121 = tpu.memref_squeeze %parallel_loop3A_120 : memref<1x1x32xf32, #tpu.memory_space<hbm>> -> memref<32xf32, #tpu.memory_space<hbm>>
        tpu.enqueue_dma source(%parallel_loop3A_121 : memref<32xf32, #tpu.memory_space<hbm>>) target(%parallel_loop3A_118 : memref<32xf32, #tpu.memory_space<vmem>>) target_semaphore(%arg7 : memref<!tpu.dma_semaphore, #tpu.memory_space<semaphore_mem>>)
        %parallel_loop3A_122 = vector.extract_strided_slice %parallel_loop3A_24 {offsets = [5], sizes = [1], strides = [1]} : vector<16xi32> to vector<1xi32>
        %parallel_loop3A_123 = vector.extract %parallel_loop3A_122[0] : i32 from vector<1xi32>
        %parallel_loop3A_124 = arith.constant 1 : i32
        %parallel_loop3A_125 = arith.addi %parallel_loop3A_123, %parallel_loop3A_124 : i32
        %parallel_loop3A_126 = arith.constant 5 : i32
        %parallel_loop3A_127 = arith.constant 5 : i32
        %parallel_loop3A_128 = arith.constant 0 : i32
        %parallel_loop3A_129 = tpu.memref_slice %arg6[%parallel_loop3A_16, %parallel_loop3A_127, %parallel_loop3A_128] : memref<8x26x32xf32, #tpu.memory_space<vmem>> -> memref<1x1x32xf32, #tpu.memory_space<vmem>>
        %parallel_loop3A_130 = tpu.memref_squeeze %parallel_loop3A_129 : memref<1x1x32xf32, #tpu.memory_space<vmem>> -> memref<32xf32, #tpu.memory_space<vmem>>
        %parallel_loop3A_131 = arith.constant 0 : i32
        %parallel_loop3A_132 = tpu.memref_slice %arg3[%parallel_loop3A_126, %parallel_loop3A_125, %parallel_loop3A_131] : memref<26x100001x32xf32, #tpu.memory_space<hbm>> -> memref<1x1x32xf32, #tpu.memory_space<hbm>>
        %parallel_loop3A_133 = tpu.memref_squeeze %parallel_loop3A_132 : memref<1x1x32xf32, #tpu.memory_space<hbm>> -> memref<32xf32, #tpu.memory_space<hbm>>
        %parallel_loop3A_134 = arith.constant 0 : i32
        %parallel_loop3A_135 = tpu.memref_slice %arg6[%parallel_loop3A_16, %parallel_loop3A_127, %parallel_loop3A_134] : memref<8x26x32xf32, #tpu.memory_space<vmem>> -> memref<1x1x32xf32, #tpu.memory_space<vmem>>
        %parallel_loop3A_136 = tpu.memref_squeeze %parallel_loop3A_135 : memref<1x1x32xf32, #tpu.memory_space<vmem>> -> memref<32xf32, #tpu.memory_space<vmem>>
        %parallel_loop3A_137 = arith.constant 0 : i32
        %parallel_loop3A_138 = tpu.memref_slice %arg3[%parallel_loop3A_126, %parallel_loop3A_125, %parallel_loop3A_137] : memref<26x100001x32xf32, #tpu.memory_space<hbm>> -> memref<1x1x32xf32, #tpu.memory_space<hbm>>
        %parallel_loop3A_139 = tpu.memref_squeeze %parallel_loop3A_138 : memref<1x1x32xf32, #tpu.memory_space<hbm>> -> memref<32xf32, #tpu.memory_space<hbm>>
        tpu.enqueue_dma source(%parallel_loop3A_139 : memref<32xf32, #tpu.memory_space<hbm>>) target(%parallel_loop3A_136 : memref<32xf32, #tpu.memory_space<vmem>>) target_semaphore(%arg7 : memref<!tpu.dma_semaphore, #tpu.memory_space<semaphore_mem>>)
        %parallel_loop3A_140 = vector.extract_strided_slice %parallel_loop3A_24 {offsets = [6], sizes = [1], strides = [1]} : vector<16xi32> to vector<1xi32>
        %parallel_loop3A_141 = vector.extract %parallel_loop3A_140[0] : i32 from vector<1xi32>
        %parallel_loop3A_142 = arith.constant 1 : i32
        %parallel_loop3A_143 = arith.addi %parallel_loop3A_141, %parallel_loop3A_142 : i32
        %parallel_loop3A_144 = arith.constant 6 : i32
        %parallel_loop3A_145 = arith.constant 6 : i32
        %parallel_loop3A_146 = arith.constant 0 : i32
        %parallel_loop3A_147 = tpu.memref_slice %arg6[%parallel_loop3A_16, %parallel_loop3A_145, %parallel_loop3A_146] : memref<8x26x32xf32, #tpu.memory_space<vmem>> -> memref<1x1x32xf32, #tpu.memory_space<vmem>>
        %parallel_loop3A_148 = tpu.memref_squeeze %parallel_loop3A_147 : memref<1x1x32xf32, #tpu.memory_space<vmem>> -> memref<32xf32, #tpu.memory_space<vmem>>
        %parallel_loop3A_149 = arith.constant 0 : i32
        %parallel_loop3A_150 = tpu.memref_slice %arg3[%parallel_loop3A_144, %parallel_loop3A_143, %parallel_loop3A_149] : memref<26x100001x32xf32, #tpu.memory_space<hbm>> -> memref<1x1x32xf32, #tpu.memory_space<hbm>>
        %parallel_loop3A_151 = tpu.memref_squeeze %parallel_loop3A_150 : memref<1x1x32xf32, #tpu.memory_space<hbm>> -> memref<32xf32, #tpu.memory_space<hbm>>
        %parallel_loop3A_152 = arith.constant 0 : i32
        %parallel_loop3A_153 = tpu.memref_slice %arg6[%parallel_loop3A_16, %parallel_loop3A_145, %parallel_loop3A_152] : memref<8x26x32xf32, #tpu.memory_space<vmem>> -> memref<1x1x32xf32, #tpu.memory_space<vmem>>
        %parallel_loop3A_154 = tpu.memref_squeeze %parallel_loop3A_153 : memref<1x1x32xf32, #tpu.memory_space<vmem>> -> memref<32xf32, #tpu.memory_space<vmem>>
        %parallel_loop3A_155 = arith.constant 0 : i32
        %parallel_loop3A_156 = tpu.memref_slice %arg3[%parallel_loop3A_144, %parallel_loop3A_143, %parallel_loop3A_155] : memref<26x100001x32xf32, #tpu.memory_space<hbm>> -> memref<1x1x32xf32, #tpu.memory_space<hbm>>
        %parallel_loop3A_157 = tpu.memref_squeeze %parallel_loop3A_156 : memref<1x1x32xf32, #tpu.memory_space<hbm>> -> memref<32xf32, #tpu.memory_space<hbm>>
        tpu.enqueue_dma source(%parallel_loop3A_157 : memref<32xf32, #tpu.memory_space<hbm>>) target(%parallel_loop3A_154 : memref<32xf32, #tpu.memory_space<vmem>>) target_semaphore(%arg7 : memref<!tpu.dma_semaphore, #tpu.memory_space<semaphore_mem>>)
        %parallel_loop3A_158 = vector.extract_strided_slice %parallel_loop3A_24 {offsets = [7], sizes = [1], strides = [1]} : vector<16xi32> to vector<1xi32>
        %parallel_loop3A_159 = vector.extract %parallel_loop3A_158[0] : i32 from vector<1xi32>
        %parallel_loop3A_160 = arith.constant 1 : i32
        %parallel_loop3A_161 = arith.addi %parallel_loop3A_159, %parallel_loop3A_160 : i32
        %parallel_loop3A_162 = arith.constant 7 : i32
        %parallel_loop3A_163 = arith.constant 7 : i32
        %parallel_loop3A_164 = arith.constant 0 : i32
        %parallel_loop3A_165 = tpu.memref_slice %arg6[%parallel_loop3A_16, %parallel_loop3A_163, %parallel_loop3A_164] : memref<8x26x32xf32, #tpu.memory_space<vmem>> -> memref<1x1x32xf32, #tpu.memory_space<vmem>>
        %parallel_loop3A_166 = tpu.memref_squeeze %parallel_loop3A_165 : memref<1x1x32xf32, #tpu.memory_space<vmem>> -> memref<32xf32, #tpu.memory_space<vmem>>
        %parallel_loop3A_167 = arith.constant 0 : i32
        %parallel_loop3A_168 = tpu.memref_slice %arg3[%parallel_loop3A_162, %parallel_loop3A_161, %parallel_loop3A_167] : memref<26x100001x32xf32, #tpu.memory_space<hbm>> -> memref<1x1x32xf32, #tpu.memory_space<hbm>>
        %parallel_loop3A_169 = tpu.memref_squeeze %parallel_loop3A_168 : memref<1x1x32xf32, #tpu.memory_space<hbm>> -> memref<32xf32, #tpu.memory_space<hbm>>
        %parallel_loop3A_170 = arith.constant 0 : i32
        %parallel_loop3A_171 = tpu.memref_slice %arg6[%parallel_loop3A_16, %parallel_loop3A_163, %parallel_loop3A_170] : memref<8x26x32xf32, #tpu.memory_space<vmem>> -> memref<1x1x32xf32, #tpu.memory_space<vmem>>
        %parallel_loop3A_172 = tpu.memref_squeeze %parallel_loop3A_171 : memref<1x1x32xf32, #tpu.memory_space<vmem>> -> memref<32xf32, #tpu.memory_space<vmem>>
        %parallel_loop3A_173 = arith.constant 0 : i32
        %parallel_loop3A_174 = tpu.memref_slice %arg3[%parallel_loop3A_162, %parallel_loop3A_161, %parallel_loop3A_173] : memref<26x100001x32xf32, #tpu.memory_space<hbm>> -> memref<1x1x32xf32, #tpu.memory_space<hbm>>
        %parallel_loop3A_175 = tpu.memref_squeeze %parallel_loop3A_174 : memref<1x1x32xf32, #tpu.memory_space<hbm>> -> memref<32xf32, #tpu.memory_space<hbm>>
        tpu.enqueue_dma source(%parallel_loop3A_175 : memref<32xf32, #tpu.memory_space<hbm>>) target(%parallel_loop3A_172 : memref<32xf32, #tpu.memory_space<vmem>>) target_semaphore(%arg7 : memref<!tpu.dma_semaphore, #tpu.memory_space<semaphore_mem>>)
        %parallel_loop3A_176 = vector.extract_strided_slice %parallel_loop3A_24 {offsets = [8], sizes = [1], strides = [1]} : vector<16xi32> to vector<1xi32>
        %parallel_loop3A_177 = vector.extract %parallel_loop3A_176[0] : i32 from vector<1xi32>
        %parallel_loop3A_178 = arith.constant 1 : i32
        %parallel_loop3A_179 = arith.addi %parallel_loop3A_177, %parallel_loop3A_178 : i32
        %parallel_loop3A_180 = arith.constant 8 : i32
        %parallel_loop3A_181 = arith.constant 8 : i32
        %parallel_loop3A_182 = arith.constant 0 : i32
        %parallel_loop3A_183 = tpu.memref_slice %arg6[%parallel_loop3A_16, %parallel_loop3A_181, %parallel_loop3A_182] : memref<8x26x32xf32, #tpu.memory_space<vmem>> -> memref<1x1x32xf32, #tpu.memory_space<vmem>>
        %parallel_loop3A_184 = tpu.memref_squeeze %parallel_loop3A_183 : memref<1x1x32xf32, #tpu.memory_space<vmem>> -> memref<32xf32, #tpu.memory_space<vmem>>
        %parallel_loop3A_185 = arith.constant 0 : i32
        %parallel_loop3A_186 = tpu.memref_slice %arg3[%parallel_loop3A_180, %parallel_loop3A_179, %parallel_loop3A_185] : memref<26x100001x32xf32, #tpu.memory_space<hbm>> -> memref<1x1x32xf32, #tpu.memory_space<hbm>>
        %parallel_loop3A_187 = tpu.memref_squeeze %parallel_loop3A_186 : memref<1x1x32xf32, #tpu.memory_space<hbm>> -> memref<32xf32, #tpu.memory_space<hbm>>
        %parallel_loop3A_188 = arith.constant 0 : i32
        %parallel_loop3A_189 = tpu.memref_slice %arg6[%parallel_loop3A_16, %parallel_loop3A_181, %parallel_loop3A_188] : memref<8x26x32xf32, #tpu.memory_space<vmem>> -> memref<1x1x32xf32, #tpu.memory_space<vmem>>
        %parallel_loop3A_190 = tpu.memref_squeeze %parallel_loop3A_189 : memref<1x1x32xf32, #tpu.memory_space<vmem>> -> memref<32xf32, #tpu.memory_space<vmem>>
        %parallel_loop3A_191 = arith.constant 0 : i32
        %parallel_loop3A_192 = tpu.memref_slice %arg3[%parallel_loop3A_180, %parallel_loop3A_179, %parallel_loop3A_191] : memref<26x100001x32xf32, #tpu.memory_space<hbm>> -> memref<1x1x32xf32, #tpu.memory_space<hbm>>
        %parallel_loop3A_193 = tpu.memref_squeeze %parallel_loop3A_192 : memref<1x1x32xf32, #tpu.memory_space<hbm>> -> memref<32xf32, #tpu.memory_space<hbm>>
        tpu.enqueue_dma source(%parallel_loop3A_193 : memref<32xf32, #tpu.memory_space<hbm>>) target(%parallel_loop3A_190 : memref<32xf32, #tpu.memory_space<vmem>>) target_semaphore(%arg7 : memref<!tpu.dma_semaphore, #tpu.memory_space<semaphore_mem>>)
        %parallel_loop3A_194 = vector.extract_strided_slice %parallel_loop3A_24 {offsets = [9], sizes = [1], strides = [1]} : vector<16xi32> to vector<1xi32>
        %parallel_loop3A_195 = vector.extract %parallel_loop3A_194[0] : i32 from vector<1xi32>
        %parallel_loop3A_196 = arith.constant 1 : i32
        %parallel_loop3A_197 = arith.addi %parallel_loop3A_195, %parallel_loop3A_196 : i32
        %parallel_loop3A_198 = arith.constant 9 : i32
        %parallel_loop3A_199 = arith.constant 9 : i32
        %parallel_loop3A_200 = arith.constant 0 : i32
        %parallel_loop3A_201 = tpu.memref_slice %arg6[%parallel_loop3A_16, %parallel_loop3A_199, %parallel_loop3A_200] : memref<8x26x32xf32, #tpu.memory_space<vmem>> -> memref<1x1x32xf32, #tpu.memory_space<vmem>>
        %parallel_loop3A_202 = tpu.memref_squeeze %parallel_loop3A_201 : memref<1x1x32xf32, #tpu.memory_space<vmem>> -> memref<32xf32, #tpu.memory_space<vmem>>
        %parallel_loop3A_203 = arith.constant 0 : i32
        %parallel_loop3A_204 = tpu.memref_slice %arg3[%parallel_loop3A_198, %parallel_loop3A_197, %parallel_loop3A_203] : memref<26x100001x32xf32, #tpu.memory_space<hbm>> -> memref<1x1x32xf32, #tpu.memory_space<hbm>>
        %parallel_loop3A_205 = tpu.memref_squeeze %parallel_loop3A_204 : memref<1x1x32xf32, #tpu.memory_space<hbm>> -> memref<32xf32, #tpu.memory_space<hbm>>
        %parallel_loop3A_206 = arith.constant 0 : i32
        %parallel_loop3A_207 = tpu.memref_slice %arg6[%parallel_loop3A_16, %parallel_loop3A_199, %parallel_loop3A_206] : memref<8x26x32xf32, #tpu.memory_space<vmem>> -> memref<1x1x32xf32, #tpu.memory_space<vmem>>
        %parallel_loop3A_208 = tpu.memref_squeeze %parallel_loop3A_207 : memref<1x1x32xf32, #tpu.memory_space<vmem>> -> memref<32xf32, #tpu.memory_space<vmem>>
        %parallel_loop3A_209 = arith.constant 0 : i32
        %parallel_loop3A_210 = tpu.memref_slice %arg3[%parallel_loop3A_198, %parallel_loop3A_197, %parallel_loop3A_209] : memref<26x100001x32xf32, #tpu.memory_space<hbm>> -> memref<1x1x32xf32, #tpu.memory_space<hbm>>
        %parallel_loop3A_211 = tpu.memref_squeeze %parallel_loop3A_210 : memref<1x1x32xf32, #tpu.memory_space<hbm>> -> memref<32xf32, #tpu.memory_space<hbm>>
        tpu.enqueue_dma source(%parallel_loop3A_211 : memref<32xf32, #tpu.memory_space<hbm>>) target(%parallel_loop3A_208 : memref<32xf32, #tpu.memory_space<vmem>>) target_semaphore(%arg7 : memref<!tpu.dma_semaphore, #tpu.memory_space<semaphore_mem>>)
        %parallel_loop3A_212 = vector.extract_strided_slice %parallel_loop3A_24 {offsets = [10], sizes = [1], strides = [1]} : vector<16xi32> to vector<1xi32>
        %parallel_loop3A_213 = vector.extract %parallel_loop3A_212[0] : i32 from vector<1xi32>
        %parallel_loop3A_214 = arith.constant 1 : i32
        %parallel_loop3A_215 = arith.addi %parallel_loop3A_213, %parallel_loop3A_214 : i32
        %parallel_loop3A_216 = arith.constant 10 : i32
        %parallel_loop3A_217 = arith.constant 10 : i32
        %parallel_loop3A_218 = arith.constant 0 : i32
        %parallel_loop3A_219 = tpu.memref_slice %arg6[%parallel_loop3A_16, %parallel_loop3A_217, %parallel_loop3A_218] : memref<8x26x32xf32, #tpu.memory_space<vmem>> -> memref<1x1x32xf32, #tpu.memory_space<vmem>>
        %parallel_loop3A_220 = tpu.memref_squeeze %parallel_loop3A_219 : memref<1x1x32xf32, #tpu.memory_space<vmem>> -> memref<32xf32, #tpu.memory_space<vmem>>
        %parallel_loop3A_221 = arith.constant 0 : i32
        %parallel_loop3A_222 = tpu.memref_slice %arg3[%parallel_loop3A_216, %parallel_loop3A_215, %parallel_loop3A_221] : memref<26x100001x32xf32, #tpu.memory_space<hbm>> -> memref<1x1x32xf32, #tpu.memory_space<hbm>>
        %parallel_loop3A_223 = tpu.memref_squeeze %parallel_loop3A_222 : memref<1x1x32xf32, #tpu.memory_space<hbm>> -> memref<32xf32, #tpu.memory_space<hbm>>
        %parallel_loop3A_224 = arith.constant 0 : i32
        %parallel_loop3A_225 = tpu.memref_slice %arg6[%parallel_loop3A_16, %parallel_loop3A_217, %parallel_loop3A_224] : memref<8x26x32xf32, #tpu.memory_space<vmem>> -> memref<1x1x32xf32, #tpu.memory_space<vmem>>
        %parallel_loop3A_226 = tpu.memref_squeeze %parallel_loop3A_225 : memref<1x1x32xf32, #tpu.memory_space<vmem>> -> memref<32xf32, #tpu.memory_space<vmem>>
        %parallel_loop3A_227 = arith.constant 0 : i32
        %parallel_loop3A_228 = tpu.memref_slice %arg3[%parallel_loop3A_216, %parallel_loop3A_215, %parallel_loop3A_227] : memref<26x100001x32xf32, #tpu.memory_space<hbm>> -> memref<1x1x32xf32, #tpu.memory_space<hbm>>
        %parallel_loop3A_229 = tpu.memref_squeeze %parallel_loop3A_228 : memref<1x1x32xf32, #tpu.memory_space<hbm>> -> memref<32xf32, #tpu.memory_space<hbm>>
        tpu.enqueue_dma source(%parallel_loop3A_229 : memref<32xf32, #tpu.memory_space<hbm>>) target(%parallel_loop3A_226 : memref<32xf32, #tpu.memory_space<vmem>>) target_semaphore(%arg7 : memref<!tpu.dma_semaphore, #tpu.memory_space<semaphore_mem>>)
        %parallel_loop3A_230 = vector.extract_strided_slice %parallel_loop3A_24 {offsets = [11], sizes = [1], strides = [1]} : vector<16xi32> to vector<1xi32>
        %parallel_loop3A_231 = vector.extract %parallel_loop3A_230[0] : i32 from vector<1xi32>
        %parallel_loop3A_232 = arith.constant 1 : i32
        %parallel_loop3A_233 = arith.addi %parallel_loop3A_231, %parallel_loop3A_232 : i32
        %parallel_loop3A_234 = arith.constant 11 : i32
        %parallel_loop3A_235 = arith.constant 11 : i32
        %parallel_loop3A_236 = arith.constant 0 : i32
        %parallel_loop3A_237 = tpu.memref_slice %arg6[%parallel_loop3A_16, %parallel_loop3A_235, %parallel_loop3A_236] : memref<8x26x32xf32, #tpu.memory_space<vmem>> -> memref<1x1x32xf32, #tpu.memory_space<vmem>>
        %parallel_loop3A_238 = tpu.memref_squeeze %parallel_loop3A_237 : memref<1x1x32xf32, #tpu.memory_space<vmem>> -> memref<32xf32, #tpu.memory_space<vmem>>
        %parallel_loop3A_239 = arith.constant 0 : i32
        %parallel_loop3A_240 = tpu.memref_slice %arg3[%parallel_loop3A_234, %parallel_loop3A_233, %parallel_loop3A_239] : memref<26x100001x32xf32, #tpu.memory_space<hbm>> -> memref<1x1x32xf32, #tpu.memory_space<hbm>>
        %parallel_loop3A_241 = tpu.memref_squeeze %parallel_loop3A_240 : memref<1x1x32xf32, #tpu.memory_space<hbm>> -> memref<32xf32, #tpu.memory_space<hbm>>
        %parallel_loop3A_242 = arith.constant 0 : i32
        %parallel_loop3A_243 = tpu.memref_slice %arg6[%parallel_loop3A_16, %parallel_loop3A_235, %parallel_loop3A_242] : memref<8x26x32xf32, #tpu.memory_space<vmem>> -> memref<1x1x32xf32, #tpu.memory_space<vmem>>
        %parallel_loop3A_244 = tpu.memref_squeeze %parallel_loop3A_243 : memref<1x1x32xf32, #tpu.memory_space<vmem>> -> memref<32xf32, #tpu.memory_space<vmem>>
        %parallel_loop3A_245 = arith.constant 0 : i32
        %parallel_loop3A_246 = tpu.memref_slice %arg3[%parallel_loop3A_234, %parallel_loop3A_233, %parallel_loop3A_245] : memref<26x100001x32xf32, #tpu.memory_space<hbm>> -> memref<1x1x32xf32, #tpu.memory_space<hbm>>
        %parallel_loop3A_247 = tpu.memref_squeeze %parallel_loop3A_246 : memref<1x1x32xf32, #tpu.memory_space<hbm>> -> memref<32xf32, #tpu.memory_space<hbm>>
        tpu.enqueue_dma source(%parallel_loop3A_247 : memref<32xf32, #tpu.memory_space<hbm>>) target(%parallel_loop3A_244 : memref<32xf32, #tpu.memory_space<vmem>>) target_semaphore(%arg7 : memref<!tpu.dma_semaphore, #tpu.memory_space<semaphore_mem>>)
        %parallel_loop3A_248 = vector.extract_strided_slice %parallel_loop3A_24 {offsets = [12], sizes = [1], strides = [1]} : vector<16xi32> to vector<1xi32>
        %parallel_loop3A_249 = vector.extract %parallel_loop3A_248[0] : i32 from vector<1xi32>
        %parallel_loop3A_250 = arith.constant 1 : i32
        %parallel_loop3A_251 = arith.addi %parallel_loop3A_249, %parallel_loop3A_250 : i32
        %parallel_loop3A_252 = arith.constant 12 : i32
        %parallel_loop3A_253 = arith.constant 12 : i32
        %parallel_loop3A_254 = arith.constant 0 : i32
        %parallel_loop3A_255 = tpu.memref_slice %arg6[%parallel_loop3A_16, %parallel_loop3A_253, %parallel_loop3A_254] : memref<8x26x32xf32, #tpu.memory_space<vmem>> -> memref<1x1x32xf32, #tpu.memory_space<vmem>>
        %parallel_loop3A_256 = tpu.memref_squeeze %parallel_loop3A_255 : memref<1x1x32xf32, #tpu.memory_space<vmem>> -> memref<32xf32, #tpu.memory_space<vmem>>
        %parallel_loop3A_257 = arith.constant 0 : i32
        %parallel_loop3A_258 = tpu.memref_slice %arg3[%parallel_loop3A_252, %parallel_loop3A_251, %parallel_loop3A_257] : memref<26x100001x32xf32, #tpu.memory_space<hbm>> -> memref<1x1x32xf32, #tpu.memory_space<hbm>>
        %parallel_loop3A_259 = tpu.memref_squeeze %parallel_loop3A_258 : memref<1x1x32xf32, #tpu.memory_space<hbm>> -> memref<32xf32, #tpu.memory_space<hbm>>
        %parallel_loop3A_260 = arith.constant 0 : i32
        %parallel_loop3A_261 = tpu.memref_slice %arg6[%parallel_loop3A_16, %parallel_loop3A_253, %parallel_loop3A_260] : memref<8x26x32xf32, #tpu.memory_space<vmem>> -> memref<1x1x32xf32, #tpu.memory_space<vmem>>
        %parallel_loop3A_262 = tpu.memref_squeeze %parallel_loop3A_261 : memref<1x1x32xf32, #tpu.memory_space<vmem>> -> memref<32xf32, #tpu.memory_space<vmem>>
        %parallel_loop3A_263 = arith.constant 0 : i32
        %parallel_loop3A_264 = tpu.memref_slice %arg3[%parallel_loop3A_252, %parallel_loop3A_251, %parallel_loop3A_263] : memref<26x100001x32xf32, #tpu.memory_space<hbm>> -> memref<1x1x32xf32, #tpu.memory_space<hbm>>
        %parallel_loop3A_265 = tpu.memref_squeeze %parallel_loop3A_264 : memref<1x1x32xf32, #tpu.memory_space<hbm>> -> memref<32xf32, #tpu.memory_space<hbm>>
        tpu.enqueue_dma source(%parallel_loop3A_265 : memref<32xf32, #tpu.memory_space<hbm>>) target(%parallel_loop3A_262 : memref<32xf32, #tpu.memory_space<vmem>>) target_semaphore(%arg7 : memref<!tpu.dma_semaphore, #tpu.memory_space<semaphore_mem>>)
        %parallel_loop3A_266 = vector.extract_strided_slice %parallel_loop3A_24 {offsets = [13], sizes = [1], strides = [1]} : vector<16xi32> to vector<1xi32>
        %parallel_loop3A_267 = vector.extract %parallel_loop3A_266[0] : i32 from vector<1xi32>
        %parallel_loop3A_268 = arith.constant 1 : i32
        %parallel_loop3A_269 = arith.addi %parallel_loop3A_267, %parallel_loop3A_268 : i32
        %parallel_loop3A_270 = arith.constant 13 : i32
        %parallel_loop3A_271 = arith.constant 13 : i32
        %parallel_loop3A_272 = arith.constant 0 : i32
        %parallel_loop3A_273 = tpu.memref_slice %arg6[%parallel_loop3A_16, %parallel_loop3A_271, %parallel_loop3A_272] : memref<8x26x32xf32, #tpu.memory_space<vmem>> -> memref<1x1x32xf32, #tpu.memory_space<vmem>>
        %parallel_loop3A_274 = tpu.memref_squeeze %parallel_loop3A_273 : memref<1x1x32xf32, #tpu.memory_space<vmem>> -> memref<32xf32, #tpu.memory_space<vmem>>
        %parallel_loop3A_275 = arith.constant 0 : i32
        %parallel_loop3A_276 = tpu.memref_slice %arg3[%parallel_loop3A_270, %parallel_loop3A_269, %parallel_loop3A_275] : memref<26x100001x32xf32, #tpu.memory_space<hbm>> -> memref<1x1x32xf32, #tpu.memory_space<hbm>>
        %parallel_loop3A_277 = tpu.memref_squeeze %parallel_loop3A_276 : memref<1x1x32xf32, #tpu.memory_space<hbm>> -> memref<32xf32, #tpu.memory_space<hbm>>
        %parallel_loop3A_278 = arith.constant 0 : i32
        %parallel_loop3A_279 = tpu.memref_slice %arg6[%parallel_loop3A_16, %parallel_loop3A_271, %parallel_loop3A_278] : memref<8x26x32xf32, #tpu.memory_space<vmem>> -> memref<1x1x32xf32, #tpu.memory_space<vmem>>
        %parallel_loop3A_280 = tpu.memref_squeeze %parallel_loop3A_279 : memref<1x1x32xf32, #tpu.memory_space<vmem>> -> memref<32xf32, #tpu.memory_space<vmem>>
        %parallel_loop3A_281 = arith.constant 0 : i32
        %parallel_loop3A_282 = tpu.memref_slice %arg3[%parallel_loop3A_270, %parallel_loop3A_269, %parallel_loop3A_281] : memref<26x100001x32xf32, #tpu.memory_space<hbm>> -> memref<1x1x32xf32, #tpu.memory_space<hbm>>
        %parallel_loop3A_283 = tpu.memref_squeeze %parallel_loop3A_282 : memref<1x1x32xf32, #tpu.memory_space<hbm>> -> memref<32xf32, #tpu.memory_space<hbm>>
        tpu.enqueue_dma source(%parallel_loop3A_283 : memref<32xf32, #tpu.memory_space<hbm>>) target(%parallel_loop3A_280 : memref<32xf32, #tpu.memory_space<vmem>>) target_semaphore(%arg7 : memref<!tpu.dma_semaphore, #tpu.memory_space<semaphore_mem>>)
        %parallel_loop3A_284 = vector.extract_strided_slice %parallel_loop3A_24 {offsets = [14], sizes = [1], strides = [1]} : vector<16xi32> to vector<1xi32>
        %parallel_loop3A_285 = vector.extract %parallel_loop3A_284[0] : i32 from vector<1xi32>
        %parallel_loop3A_286 = arith.constant 1 : i32
        %parallel_loop3A_287 = arith.addi %parallel_loop3A_285, %parallel_loop3A_286 : i32
        %parallel_loop3A_288 = arith.constant 14 : i32
        %parallel_loop3A_289 = arith.constant 14 : i32
        %parallel_loop3A_290 = arith.constant 0 : i32
        %parallel_loop3A_291 = tpu.memref_slice %arg6[%parallel_loop3A_16, %parallel_loop3A_289, %parallel_loop3A_290] : memref<8x26x32xf32, #tpu.memory_space<vmem>> -> memref<1x1x32xf32, #tpu.memory_space<vmem>>
        %parallel_loop3A_292 = tpu.memref_squeeze %parallel_loop3A_291 : memref<1x1x32xf32, #tpu.memory_space<vmem>> -> memref<32xf32, #tpu.memory_space<vmem>>
        %parallel_loop3A_293 = arith.constant 0 : i32
        %parallel_loop3A_294 = tpu.memref_slice %arg3[%parallel_loop3A_288, %parallel_loop3A_287, %parallel_loop3A_293] : memref<26x100001x32xf32, #tpu.memory_space<hbm>> -> memref<1x1x32xf32, #tpu.memory_space<hbm>>
        %parallel_loop3A_295 = tpu.memref_squeeze %parallel_loop3A_294 : memref<1x1x32xf32, #tpu.memory_space<hbm>> -> memref<32xf32, #tpu.memory_space<hbm>>
        %parallel_loop3A_296 = arith.constant 0 : i32
        %parallel_loop3A_297 = tpu.memref_slice %arg6[%parallel_loop3A_16, %parallel_loop3A_289, %parallel_loop3A_296] : memref<8x26x32xf32, #tpu.memory_space<vmem>> -> memref<1x1x32xf32, #tpu.memory_space<vmem>>
        %parallel_loop3A_298 = tpu.memref_squeeze %parallel_loop3A_297 : memref<1x1x32xf32, #tpu.memory_space<vmem>> -> memref<32xf32, #tpu.memory_space<vmem>>
        %parallel_loop3A_299 = arith.constant 0 : i32
        %parallel_loop3A_300 = tpu.memref_slice %arg3[%parallel_loop3A_288, %parallel_loop3A_287, %parallel_loop3A_299] : memref<26x100001x32xf32, #tpu.memory_space<hbm>> -> memref<1x1x32xf32, #tpu.memory_space<hbm>>
        %parallel_loop3A_301 = tpu.memref_squeeze %parallel_loop3A_300 : memref<1x1x32xf32, #tpu.memory_space<hbm>> -> memref<32xf32, #tpu.memory_space<hbm>>
        tpu.enqueue_dma source(%parallel_loop3A_301 : memref<32xf32, #tpu.memory_space<hbm>>) target(%parallel_loop3A_298 : memref<32xf32, #tpu.memory_space<vmem>>) target_semaphore(%arg7 : memref<!tpu.dma_semaphore, #tpu.memory_space<semaphore_mem>>)
        %parallel_loop3A_302 = vector.extract_strided_slice %parallel_loop3A_24 {offsets = [15], sizes = [1], strides = [1]} : vector<16xi32> to vector<1xi32>
        %parallel_loop3A_303 = vector.extract %parallel_loop3A_302[0] : i32 from vector<1xi32>
        %parallel_loop3A_304 = arith.constant 1 : i32
        %parallel_loop3A_305 = arith.addi %parallel_loop3A_303, %parallel_loop3A_304 : i32
        %parallel_loop3A_306 = arith.constant 15 : i32
        %parallel_loop3A_307 = arith.constant 15 : i32
        %parallel_loop3A_308 = arith.constant 0 : i32
        %parallel_loop3A_309 = tpu.memref_slice %arg6[%parallel_loop3A_16, %parallel_loop3A_307, %parallel_loop3A_308] : memref<8x26x32xf32, #tpu.memory_space<vmem>> -> memref<1x1x32xf32, #tpu.memory_space<vmem>>
        %parallel_loop3A_310 = tpu.memref_squeeze %parallel_loop3A_309 : memref<1x1x32xf32, #tpu.memory_space<vmem>> -> memref<32xf32, #tpu.memory_space<vmem>>
        %parallel_loop3A_311 = arith.constant 0 : i32
        %parallel_loop3A_312 = tpu.memref_slice %arg3[%parallel_loop3A_306, %parallel_loop3A_305, %parallel_loop3A_311] : memref<26x100001x32xf32, #tpu.memory_space<hbm>> -> memref<1x1x32xf32, #tpu.memory_space<hbm>>
        %parallel_loop3A_313 = tpu.memref_squeeze %parallel_loop3A_312 : memref<1x1x32xf32, #tpu.memory_space<hbm>> -> memref<32xf32, #tpu.memory_space<hbm>>
        %parallel_loop3A_314 = arith.constant 0 : i32
        %parallel_loop3A_315 = tpu.memref_slice %arg6[%parallel_loop3A_16, %parallel_loop3A_307, %parallel_loop3A_314] : memref<8x26x32xf32, #tpu.memory_space<vmem>> -> memref<1x1x32xf32, #tpu.memory_space<vmem>>
        %parallel_loop3A_316 = tpu.memref_squeeze %parallel_loop3A_315 : memref<1x1x32xf32, #tpu.memory_space<vmem>> -> memref<32xf32, #tpu.memory_space<vmem>>
        %parallel_loop3A_317 = arith.constant 0 : i32
        %parallel_loop3A_318 = tpu.memref_slice %arg3[%parallel_loop3A_306, %parallel_loop3A_305, %parallel_loop3A_317] : memref<26x100001x32xf32, #tpu.memory_space<hbm>> -> memref<1x1x32xf32, #tpu.memory_space<hbm>>
        %parallel_loop3A_319 = tpu.memref_squeeze %parallel_loop3A_318 : memref<1x1x32xf32, #tpu.memory_space<hbm>> -> memref<32xf32, #tpu.memory_space<hbm>>
        tpu.enqueue_dma source(%parallel_loop3A_319 : memref<32xf32, #tpu.memory_space<hbm>>) target(%parallel_loop3A_316 : memref<32xf32, #tpu.memory_space<vmem>>) target_semaphore(%arg7 : memref<!tpu.dma_semaphore, #tpu.memory_space<semaphore_mem>>)
        %parallel_loop3A_320 = vector.extract_strided_slice %parallel_loop3A_31 {offsets = [6], sizes = [1], strides = [1]} : vector<16xi32> to vector<1xi32>
        %parallel_loop3A_321 = vector.extract %parallel_loop3A_320[0] : i32 from vector<1xi32>
        %parallel_loop3A_322 = arith.constant 1 : i32
        %parallel_loop3A_323 = arith.addi %parallel_loop3A_321, %parallel_loop3A_322 : i32
        %parallel_loop3A_324 = arith.constant 16 : i32
        %parallel_loop3A_325 = arith.constant 16 : i32
        %parallel_loop3A_326 = arith.constant 0 : i32
        %parallel_loop3A_327 = tpu.memref_slice %arg6[%parallel_loop3A_16, %parallel_loop3A_325, %parallel_loop3A_326] : memref<8x26x32xf32, #tpu.memory_space<vmem>> -> memref<1x1x32xf32, #tpu.memory_space<vmem>>
        %parallel_loop3A_328 = tpu.memref_squeeze %parallel_loop3A_327 : memref<1x1x32xf32, #tpu.memory_space<vmem>> -> memref<32xf32, #tpu.memory_space<vmem>>
        %parallel_loop3A_329 = arith.constant 0 : i32
        %parallel_loop3A_330 = tpu.memref_slice %arg3[%parallel_loop3A_324, %parallel_loop3A_323, %parallel_loop3A_329] : memref<26x100001x32xf32, #tpu.memory_space<hbm>> -> memref<1x1x32xf32, #tpu.memory_space<hbm>>
        %parallel_loop3A_331 = tpu.memref_squeeze %parallel_loop3A_330 : memref<1x1x32xf32, #tpu.memory_space<hbm>> -> memref<32xf32, #tpu.memory_space<hbm>>
        %parallel_loop3A_332 = arith.constant 0 : i32
        %parallel_loop3A_333 = tpu.memref_slice %arg6[%parallel_loop3A_16, %parallel_loop3A_325, %parallel_loop3A_332] : memref<8x26x32xf32, #tpu.memory_space<vmem>> -> memref<1x1x32xf32, #tpu.memory_space<vmem>>
        %parallel_loop3A_334 = tpu.memref_squeeze %parallel_loop3A_333 : memref<1x1x32xf32, #tpu.memory_space<vmem>> -> memref<32xf32, #tpu.memory_space<vmem>>
        %parallel_loop3A_335 = arith.constant 0 : i32
        %parallel_loop3A_336 = tpu.memref_slice %arg3[%parallel_loop3A_324, %parallel_loop3A_323, %parallel_loop3A_335] : memref<26x100001x32xf32, #tpu.memory_space<hbm>> -> memref<1x1x32xf32, #tpu.memory_space<hbm>>
        %parallel_loop3A_337 = tpu.memref_squeeze %parallel_loop3A_336 : memref<1x1x32xf32, #tpu.memory_space<hbm>> -> memref<32xf32, #tpu.memory_space<hbm>>
        tpu.enqueue_dma source(%parallel_loop3A_337 : memref<32xf32, #tpu.memory_space<hbm>>) target(%parallel_loop3A_334 : memref<32xf32, #tpu.memory_space<vmem>>) target_semaphore(%arg7 : memref<!tpu.dma_semaphore, #tpu.memory_space<semaphore_mem>>)
        %parallel_loop3A_338 = vector.extract_strided_slice %parallel_loop3A_31 {offsets = [7], sizes = [1], strides = [1]} : vector<16xi32> to vector<1xi32>
        %parallel_loop3A_339 = vector.extract %parallel_loop3A_338[0] : i32 from vector<1xi32>
        %parallel_loop3A_340 = arith.constant 1 : i32
        %parallel_loop3A_341 = arith.addi %parallel_loop3A_339, %parallel_loop3A_340 : i32
        %parallel_loop3A_342 = arith.constant 17 : i32
        %parallel_loop3A_343 = arith.constant 17 : i32
        %parallel_loop3A_344 = arith.constant 0 : i32
        %parallel_loop3A_345 = tpu.memref_slice %arg6[%parallel_loop3A_16, %parallel_loop3A_343, %parallel_loop3A_344] : memref<8x26x32xf32, #tpu.memory_space<vmem>> -> memref<1x1x32xf32, #tpu.memory_space<vmem>>
        %parallel_loop3A_346 = tpu.memref_squeeze %parallel_loop3A_345 : memref<1x1x32xf32, #tpu.memory_space<vmem>> -> memref<32xf32, #tpu.memory_space<vmem>>
        %parallel_loop3A_347 = arith.constant 0 : i32
        %parallel_loop3A_348 = tpu.memref_slice %arg3[%parallel_loop3A_342, %parallel_loop3A_341, %parallel_loop3A_347] : memref<26x100001x32xf32, #tpu.memory_space<hbm>> -> memref<1x1x32xf32, #tpu.memory_space<hbm>>
        %parallel_loop3A_349 = tpu.memref_squeeze %parallel_loop3A_348 : memref<1x1x32xf32, #tpu.memory_space<hbm>> -> memref<32xf32, #tpu.memory_space<hbm>>
        %parallel_loop3A_350 = arith.constant 0 : i32
        %parallel_loop3A_351 = tpu.memref_slice %arg6[%parallel_loop3A_16, %parallel_loop3A_343, %parallel_loop3A_350] : memref<8x26x32xf32, #tpu.memory_space<vmem>> -> memref<1x1x32xf32, #tpu.memory_space<vmem>>
        %parallel_loop3A_352 = tpu.memref_squeeze %parallel_loop3A_351 : memref<1x1x32xf32, #tpu.memory_space<vmem>> -> memref<32xf32, #tpu.memory_space<vmem>>
        %parallel_loop3A_353 = arith.constant 0 : i32
        %parallel_loop3A_354 = tpu.memref_slice %arg3[%parallel_loop3A_342, %parallel_loop3A_341, %parallel_loop3A_353] : memref<26x100001x32xf32, #tpu.memory_space<hbm>> -> memref<1x1x32xf32, #tpu.memory_space<hbm>>
        %parallel_loop3A_355 = tpu.memref_squeeze %parallel_loop3A_354 : memref<1x1x32xf32, #tpu.memory_space<hbm>> -> memref<32xf32, #tpu.memory_space<hbm>>
        tpu.enqueue_dma source(%parallel_loop3A_355 : memref<32xf32, #tpu.memory_space<hbm>>) target(%parallel_loop3A_352 : memref<32xf32, #tpu.memory_space<vmem>>) target_semaphore(%arg7 : memref<!tpu.dma_semaphore, #tpu.memory_space<semaphore_mem>>)
        %parallel_loop3A_356 = vector.extract_strided_slice %parallel_loop3A_31 {offsets = [8], sizes = [1], strides = [1]} : vector<16xi32> to vector<1xi32>
        %parallel_loop3A_357 = vector.extract %parallel_loop3A_356[0] : i32 from vector<1xi32>
        %parallel_loop3A_358 = arith.constant 1 : i32
        %parallel_loop3A_359 = arith.addi %parallel_loop3A_357, %parallel_loop3A_358 : i32
        %parallel_loop3A_360 = arith.constant 18 : i32
        %parallel_loop3A_361 = arith.constant 18 : i32
        %parallel_loop3A_362 = arith.constant 0 : i32
        %parallel_loop3A_363 = tpu.memref_slice %arg6[%parallel_loop3A_16, %parallel_loop3A_361, %parallel_loop3A_362] : memref<8x26x32xf32, #tpu.memory_space<vmem>> -> memref<1x1x32xf32, #tpu.memory_space<vmem>>
        %parallel_loop3A_364 = tpu.memref_squeeze %parallel_loop3A_363 : memref<1x1x32xf32, #tpu.memory_space<vmem>> -> memref<32xf32, #tpu.memory_space<vmem>>
        %parallel_loop3A_365 = arith.constant 0 : i32
        %parallel_loop3A_366 = tpu.memref_slice %arg3[%parallel_loop3A_360, %parallel_loop3A_359, %parallel_loop3A_365] : memref<26x100001x32xf32, #tpu.memory_space<hbm>> -> memref<1x1x32xf32, #tpu.memory_space<hbm>>
        %parallel_loop3A_367 = tpu.memref_squeeze %parallel_loop3A_366 : memref<1x1x32xf32, #tpu.memory_space<hbm>> -> memref<32xf32, #tpu.memory_space<hbm>>
        %parallel_loop3A_368 = arith.constant 0 : i32
        %parallel_loop3A_369 = tpu.memref_slice %arg6[%parallel_loop3A_16, %parallel_loop3A_361, %parallel_loop3A_368] : memref<8x26x32xf32, #tpu.memory_space<vmem>> -> memref<1x1x32xf32, #tpu.memory_space<vmem>>
        %parallel_loop3A_370 = tpu.memref_squeeze %parallel_loop3A_369 : memref<1x1x32xf32, #tpu.memory_space<vmem>> -> memref<32xf32, #tpu.memory_space<vmem>>
        %parallel_loop3A_371 = arith.constant 0 : i32
        %parallel_loop3A_372 = tpu.memref_slice %arg3[%parallel_loop3A_360, %parallel_loop3A_359, %parallel_loop3A_371] : memref<26x100001x32xf32, #tpu.memory_space<hbm>> -> memref<1x1x32xf32, #tpu.memory_space<hbm>>
        %parallel_loop3A_373 = tpu.memref_squeeze %parallel_loop3A_372 : memref<1x1x32xf32, #tpu.memory_space<hbm>> -> memref<32xf32, #tpu.memory_space<hbm>>
        tpu.enqueue_dma source(%parallel_loop3A_373 : memref<32xf32, #tpu.memory_space<hbm>>) target(%parallel_loop3A_370 : memref<32xf32, #tpu.memory_space<vmem>>) target_semaphore(%arg7 : memref<!tpu.dma_semaphore, #tpu.memory_space<semaphore_mem>>)
        %parallel_loop3A_374 = vector.extract_strided_slice %parallel_loop3A_31 {offsets = [9], sizes = [1], strides = [1]} : vector<16xi32> to vector<1xi32>
        %parallel_loop3A_375 = vector.extract %parallel_loop3A_374[0] : i32 from vector<1xi32>
        %parallel_loop3A_376 = arith.constant 1 : i32
        %parallel_loop3A_377 = arith.addi %parallel_loop3A_375, %parallel_loop3A_376 : i32
        %parallel_loop3A_378 = arith.constant 19 : i32
        %parallel_loop3A_379 = arith.constant 19 : i32
        %parallel_loop3A_380 = arith.constant 0 : i32
        %parallel_loop3A_381 = tpu.memref_slice %arg6[%parallel_loop3A_16, %parallel_loop3A_379, %parallel_loop3A_380] : memref<8x26x32xf32, #tpu.memory_space<vmem>> -> memref<1x1x32xf32, #tpu.memory_space<vmem>>
        %parallel_loop3A_382 = tpu.memref_squeeze %parallel_loop3A_381 : memref<1x1x32xf32, #tpu.memory_space<vmem>> -> memref<32xf32, #tpu.memory_space<vmem>>
        %parallel_loop3A_383 = arith.constant 0 : i32
        %parallel_loop3A_384 = tpu.memref_slice %arg3[%parallel_loop3A_378, %parallel_loop3A_377, %parallel_loop3A_383] : memref<26x100001x32xf32, #tpu.memory_space<hbm>> -> memref<1x1x32xf32, #tpu.memory_space<hbm>>
        %parallel_loop3A_385 = tpu.memref_squeeze %parallel_loop3A_384 : memref<1x1x32xf32, #tpu.memory_space<hbm>> -> memref<32xf32, #tpu.memory_space<hbm>>
        %parallel_loop3A_386 = arith.constant 0 : i32
        %parallel_loop3A_387 = tpu.memref_slice %arg6[%parallel_loop3A_16, %parallel_loop3A_379, %parallel_loop3A_386] : memref<8x26x32xf32, #tpu.memory_space<vmem>> -> memref<1x1x32xf32, #tpu.memory_space<vmem>>
        %parallel_loop3A_388 = tpu.memref_squeeze %parallel_loop3A_387 : memref<1x1x32xf32, #tpu.memory_space<vmem>> -> memref<32xf32, #tpu.memory_space<vmem>>
        %parallel_loop3A_389 = arith.constant 0 : i32
        %parallel_loop3A_390 = tpu.memref_slice %arg3[%parallel_loop3A_378, %parallel_loop3A_377, %parallel_loop3A_389] : memref<26x100001x32xf32, #tpu.memory_space<hbm>> -> memref<1x1x32xf32, #tpu.memory_space<hbm>>
        %parallel_loop3A_391 = tpu.memref_squeeze %parallel_loop3A_390 : memref<1x1x32xf32, #tpu.memory_space<hbm>> -> memref<32xf32, #tpu.memory_space<hbm>>
        tpu.enqueue_dma source(%parallel_loop3A_391 : memref<32xf32, #tpu.memory_space<hbm>>) target(%parallel_loop3A_388 : memref<32xf32, #tpu.memory_space<vmem>>) target_semaphore(%arg7 : memref<!tpu.dma_semaphore, #tpu.memory_space<semaphore_mem>>)
        %parallel_loop3A_392 = vector.extract_strided_slice %parallel_loop3A_31 {offsets = [10], sizes = [1], strides = [1]} : vector<16xi32> to vector<1xi32>
        %parallel_loop3A_393 = vector.extract %parallel_loop3A_392[0] : i32 from vector<1xi32>
        %parallel_loop3A_394 = arith.constant 1 : i32
        %parallel_loop3A_395 = arith.addi %parallel_loop3A_393, %parallel_loop3A_394 : i32
        %parallel_loop3A_396 = arith.constant 20 : i32
        %parallel_loop3A_397 = arith.constant 20 : i32
        %parallel_loop3A_398 = arith.constant 0 : i32
        %parallel_loop3A_399 = tpu.memref_slice %arg6[%parallel_loop3A_16, %parallel_loop3A_397, %parallel_loop3A_398] : memref<8x26x32xf32, #tpu.memory_space<vmem>> -> memref<1x1x32xf32, #tpu.memory_space<vmem>>
        %parallel_loop3A_400 = tpu.memref_squeeze %parallel_loop3A_399 : memref<1x1x32xf32, #tpu.memory_space<vmem>> -> memref<32xf32, #tpu.memory_space<vmem>>
        %parallel_loop3A_401 = arith.constant 0 : i32
        %parallel_loop3A_402 = tpu.memref_slice %arg3[%parallel_loop3A_396, %parallel_loop3A_395, %parallel_loop3A_401] : memref<26x100001x32xf32, #tpu.memory_space<hbm>> -> memref<1x1x32xf32, #tpu.memory_space<hbm>>
        %parallel_loop3A_403 = tpu.memref_squeeze %parallel_loop3A_402 : memref<1x1x32xf32, #tpu.memory_space<hbm>> -> memref<32xf32, #tpu.memory_space<hbm>>
        %parallel_loop3A_404 = arith.constant 0 : i32
        %parallel_loop3A_405 = tpu.memref_slice %arg6[%parallel_loop3A_16, %parallel_loop3A_397, %parallel_loop3A_404] : memref<8x26x32xf32, #tpu.memory_space<vmem>> -> memref<1x1x32xf32, #tpu.memory_space<vmem>>
        %parallel_loop3A_406 = tpu.memref_squeeze %parallel_loop3A_405 : memref<1x1x32xf32, #tpu.memory_space<vmem>> -> memref<32xf32, #tpu.memory_space<vmem>>
        %parallel_loop3A_407 = arith.constant 0 : i32
        %parallel_loop3A_408 = tpu.memref_slice %arg3[%parallel_loop3A_396, %parallel_loop3A_395, %parallel_loop3A_407] : memref<26x100001x32xf32, #tpu.memory_space<hbm>> -> memref<1x1x32xf32, #tpu.memory_space<hbm>>
        %parallel_loop3A_409 = tpu.memref_squeeze %parallel_loop3A_408 : memref<1x1x32xf32, #tpu.memory_space<hbm>> -> memref<32xf32, #tpu.memory_space<hbm>>
        tpu.enqueue_dma source(%parallel_loop3A_409 : memref<32xf32, #tpu.memory_space<hbm>>) target(%parallel_loop3A_406 : memref<32xf32, #tpu.memory_space<vmem>>) target_semaphore(%arg7 : memref<!tpu.dma_semaphore, #tpu.memory_space<semaphore_mem>>)
        %parallel_loop3A_410 = vector.extract_strided_slice %parallel_loop3A_31 {offsets = [11], sizes = [1], strides = [1]} : vector<16xi32> to vector<1xi32>
        %parallel_loop3A_411 = vector.extract %parallel_loop3A_410[0] : i32 from vector<1xi32>
        %parallel_loop3A_412 = arith.constant 1 : i32
        %parallel_loop3A_413 = arith.addi %parallel_loop3A_411, %parallel_loop3A_412 : i32
        %parallel_loop3A_414 = arith.constant 21 : i32
        %parallel_loop3A_415 = arith.constant 21 : i32
        %parallel_loop3A_416 = arith.constant 0 : i32
        %parallel_loop3A_417 = tpu.memref_slice %arg6[%parallel_loop3A_16, %parallel_loop3A_415, %parallel_loop3A_416] : memref<8x26x32xf32, #tpu.memory_space<vmem>> -> memref<1x1x32xf32, #tpu.memory_space<vmem>>
        %parallel_loop3A_418 = tpu.memref_squeeze %parallel_loop3A_417 : memref<1x1x32xf32, #tpu.memory_space<vmem>> -> memref<32xf32, #tpu.memory_space<vmem>>
        %parallel_loop3A_419 = arith.constant 0 : i32
        %parallel_loop3A_420 = tpu.memref_slice %arg3[%parallel_loop3A_414, %parallel_loop3A_413, %parallel_loop3A_419] : memref<26x100001x32xf32, #tpu.memory_space<hbm>> -> memref<1x1x32xf32, #tpu.memory_space<hbm>>
        %parallel_loop3A_421 = tpu.memref_squeeze %parallel_loop3A_420 : memref<1x1x32xf32, #tpu.memory_space<hbm>> -> memref<32xf32, #tpu.memory_space<hbm>>
        %parallel_loop3A_422 = arith.constant 0 : i32
        %parallel_loop3A_423 = tpu.memref_slice %arg6[%parallel_loop3A_16, %parallel_loop3A_415, %parallel_loop3A_422] : memref<8x26x32xf32, #tpu.memory_space<vmem>> -> memref<1x1x32xf32, #tpu.memory_space<vmem>>
        %parallel_loop3A_424 = tpu.memref_squeeze %parallel_loop3A_423 : memref<1x1x32xf32, #tpu.memory_space<vmem>> -> memref<32xf32, #tpu.memory_space<vmem>>
        %parallel_loop3A_425 = arith.constant 0 : i32
        %parallel_loop3A_426 = tpu.memref_slice %arg3[%parallel_loop3A_414, %parallel_loop3A_413, %parallel_loop3A_425] : memref<26x100001x32xf32, #tpu.memory_space<hbm>> -> memref<1x1x32xf32, #tpu.memory_space<hbm>>
        %parallel_loop3A_427 = tpu.memref_squeeze %parallel_loop3A_426 : memref<1x1x32xf32, #tpu.memory_space<hbm>> -> memref<32xf32, #tpu.memory_space<hbm>>
        tpu.enqueue_dma source(%parallel_loop3A_427 : memref<32xf32, #tpu.memory_space<hbm>>) target(%parallel_loop3A_424 : memref<32xf32, #tpu.memory_space<vmem>>) target_semaphore(%arg7 : memref<!tpu.dma_semaphore, #tpu.memory_space<semaphore_mem>>)
        %parallel_loop3A_428 = vector.extract_strided_slice %parallel_loop3A_31 {offsets = [12], sizes = [1], strides = [1]} : vector<16xi32> to vector<1xi32>
        %parallel_loop3A_429 = vector.extract %parallel_loop3A_428[0] : i32 from vector<1xi32>
        %parallel_loop3A_430 = arith.constant 1 : i32
        %parallel_loop3A_431 = arith.addi %parallel_loop3A_429, %parallel_loop3A_430 : i32
        %parallel_loop3A_432 = arith.constant 22 : i32
        %parallel_loop3A_433 = arith.constant 22 : i32
        %parallel_loop3A_434 = arith.constant 0 : i32
        %parallel_loop3A_435 = tpu.memref_slice %arg6[%parallel_loop3A_16, %parallel_loop3A_433, %parallel_loop3A_434] : memref<8x26x32xf32, #tpu.memory_space<vmem>> -> memref<1x1x32xf32, #tpu.memory_space<vmem>>
        %parallel_loop3A_436 = tpu.memref_squeeze %parallel_loop3A_435 : memref<1x1x32xf32, #tpu.memory_space<vmem>> -> memref<32xf32, #tpu.memory_space<vmem>>
        %parallel_loop3A_437 = arith.constant 0 : i32
        %parallel_loop3A_438 = tpu.memref_slice %arg3[%parallel_loop3A_432, %parallel_loop3A_431, %parallel_loop3A_437] : memref<26x100001x32xf32, #tpu.memory_space<hbm>> -> memref<1x1x32xf32, #tpu.memory_space<hbm>>
        %parallel_loop3A_439 = tpu.memref_squeeze %parallel_loop3A_438 : memref<1x1x32xf32, #tpu.memory_space<hbm>> -> memref<32xf32, #tpu.memory_space<hbm>>
        %parallel_loop3A_440 = arith.constant 0 : i32
        %parallel_loop3A_441 = tpu.memref_slice %arg6[%parallel_loop3A_16, %parallel_loop3A_433, %parallel_loop3A_440] : memref<8x26x32xf32, #tpu.memory_space<vmem>> -> memref<1x1x32xf32, #tpu.memory_space<vmem>>
        %parallel_loop3A_442 = tpu.memref_squeeze %parallel_loop3A_441 : memref<1x1x32xf32, #tpu.memory_space<vmem>> -> memref<32xf32, #tpu.memory_space<vmem>>
        %parallel_loop3A_443 = arith.constant 0 : i32
        %parallel_loop3A_444 = tpu.memref_slice %arg3[%parallel_loop3A_432, %parallel_loop3A_431, %parallel_loop3A_443] : memref<26x100001x32xf32, #tpu.memory_space<hbm>> -> memref<1x1x32xf32, #tpu.memory_space<hbm>>
        %parallel_loop3A_445 = tpu.memref_squeeze %parallel_loop3A_444 : memref<1x1x32xf32, #tpu.memory_space<hbm>> -> memref<32xf32, #tpu.memory_space<hbm>>
        tpu.enqueue_dma source(%parallel_loop3A_445 : memref<32xf32, #tpu.memory_space<hbm>>) target(%parallel_loop3A_442 : memref<32xf32, #tpu.memory_space<vmem>>) target_semaphore(%arg7 : memref<!tpu.dma_semaphore, #tpu.memory_space<semaphore_mem>>)
        %parallel_loop3A_446 = vector.extract_strided_slice %parallel_loop3A_31 {offsets = [13], sizes = [1], strides = [1]} : vector<16xi32> to vector<1xi32>
        %parallel_loop3A_447 = vector.extract %parallel_loop3A_446[0] : i32 from vector<1xi32>
        %parallel_loop3A_448 = arith.constant 1 : i32
        %parallel_loop3A_449 = arith.addi %parallel_loop3A_447, %parallel_loop3A_448 : i32
        %parallel_loop3A_450 = arith.constant 23 : i32
        %parallel_loop3A_451 = arith.constant 23 : i32
        %parallel_loop3A_452 = arith.constant 0 : i32
        %parallel_loop3A_453 = tpu.memref_slice %arg6[%parallel_loop3A_16, %parallel_loop3A_451, %parallel_loop3A_452] : memref<8x26x32xf32, #tpu.memory_space<vmem>> -> memref<1x1x32xf32, #tpu.memory_space<vmem>>
        %parallel_loop3A_454 = tpu.memref_squeeze %parallel_loop3A_453 : memref<1x1x32xf32, #tpu.memory_space<vmem>> -> memref<32xf32, #tpu.memory_space<vmem>>
        %parallel_loop3A_455 = arith.constant 0 : i32
        %parallel_loop3A_456 = tpu.memref_slice %arg3[%parallel_loop3A_450, %parallel_loop3A_449, %parallel_loop3A_455] : memref<26x100001x32xf32, #tpu.memory_space<hbm>> -> memref<1x1x32xf32, #tpu.memory_space<hbm>>
        %parallel_loop3A_457 = tpu.memref_squeeze %parallel_loop3A_456 : memref<1x1x32xf32, #tpu.memory_space<hbm>> -> memref<32xf32, #tpu.memory_space<hbm>>
        %parallel_loop3A_458 = arith.constant 0 : i32
        %parallel_loop3A_459 = tpu.memref_slice %arg6[%parallel_loop3A_16, %parallel_loop3A_451, %parallel_loop3A_458] : memref<8x26x32xf32, #tpu.memory_space<vmem>> -> memref<1x1x32xf32, #tpu.memory_space<vmem>>
        %parallel_loop3A_460 = tpu.memref_squeeze %parallel_loop3A_459 : memref<1x1x32xf32, #tpu.memory_space<vmem>> -> memref<32xf32, #tpu.memory_space<vmem>>
        %parallel_loop3A_461 = arith.constant 0 : i32
        %parallel_loop3A_462 = tpu.memref_slice %arg3[%parallel_loop3A_450, %parallel_loop3A_449, %parallel_loop3A_461] : memref<26x100001x32xf32, #tpu.memory_space<hbm>> -> memref<1x1x32xf32, #tpu.memory_space<hbm>>
        %parallel_loop3A_463 = tpu.memref_squeeze %parallel_loop3A_462 : memref<1x1x32xf32, #tpu.memory_space<hbm>> -> memref<32xf32, #tpu.memory_space<hbm>>
        tpu.enqueue_dma source(%parallel_loop3A_463 : memref<32xf32, #tpu.memory_space<hbm>>) target(%parallel_loop3A_460 : memref<32xf32, #tpu.memory_space<vmem>>) target_semaphore(%arg7 : memref<!tpu.dma_semaphore, #tpu.memory_space<semaphore_mem>>)
        %parallel_loop3A_464 = vector.extract_strided_slice %parallel_loop3A_31 {offsets = [14], sizes = [1], strides = [1]} : vector<16xi32> to vector<1xi32>
        %parallel_loop3A_465 = vector.extract %parallel_loop3A_464[0] : i32 from vector<1xi32>
        %parallel_loop3A_466 = arith.constant 1 : i32
        %parallel_loop3A_467 = arith.addi %parallel_loop3A_465, %parallel_loop3A_466 : i32
        %parallel_loop3A_468 = arith.constant 24 : i32
        %parallel_loop3A_469 = arith.constant 24 : i32
        %parallel_loop3A_470 = arith.constant 0 : i32
        %parallel_loop3A_471 = tpu.memref_slice %arg6[%parallel_loop3A_16, %parallel_loop3A_469, %parallel_loop3A_470] : memref<8x26x32xf32, #tpu.memory_space<vmem>> -> memref<1x1x32xf32, #tpu.memory_space<vmem>>
        %parallel_loop3A_472 = tpu.memref_squeeze %parallel_loop3A_471 : memref<1x1x32xf32, #tpu.memory_space<vmem>> -> memref<32xf32, #tpu.memory_space<vmem>>
        %parallel_loop3A_473 = arith.constant 0 : i32
        %parallel_loop3A_474 = tpu.memref_slice %arg3[%parallel_loop3A_468, %parallel_loop3A_467, %parallel_loop3A_473] : memref<26x100001x32xf32, #tpu.memory_space<hbm>> -> memref<1x1x32xf32, #tpu.memory_space<hbm>>
        %parallel_loop3A_475 = tpu.memref_squeeze %parallel_loop3A_474 : memref<1x1x32xf32, #tpu.memory_space<hbm>> -> memref<32xf32, #tpu.memory_space<hbm>>
        %parallel_loop3A_476 = arith.constant 0 : i32
        %parallel_loop3A_477 = tpu.memref_slice %arg6[%parallel_loop3A_16, %parallel_loop3A_469, %parallel_loop3A_476] : memref<8x26x32xf32, #tpu.memory_space<vmem>> -> memref<1x1x32xf32, #tpu.memory_space<vmem>>
        %parallel_loop3A_478 = tpu.memref_squeeze %parallel_loop3A_477 : memref<1x1x32xf32, #tpu.memory_space<vmem>> -> memref<32xf32, #tpu.memory_space<vmem>>
        %parallel_loop3A_479 = arith.constant 0 : i32
        %parallel_loop3A_480 = tpu.memref_slice %arg3[%parallel_loop3A_468, %parallel_loop3A_467, %parallel_loop3A_479] : memref<26x100001x32xf32, #tpu.memory_space<hbm>> -> memref<1x1x32xf32, #tpu.memory_space<hbm>>
        %parallel_loop3A_481 = tpu.memref_squeeze %parallel_loop3A_480 : memref<1x1x32xf32, #tpu.memory_space<hbm>> -> memref<32xf32, #tpu.memory_space<hbm>>
        tpu.enqueue_dma source(%parallel_loop3A_481 : memref<32xf32, #tpu.memory_space<hbm>>) target(%parallel_loop3A_478 : memref<32xf32, #tpu.memory_space<vmem>>) target_semaphore(%arg7 : memref<!tpu.dma_semaphore, #tpu.memory_space<semaphore_mem>>)
        %parallel_loop3A_482 = vector.extract_strided_slice %parallel_loop3A_31 {offsets = [15], sizes = [1], strides = [1]} : vector<16xi32> to vector<1xi32>
        %parallel_loop3A_483 = vector.extract %parallel_loop3A_482[0] : i32 from vector<1xi32>
        %parallel_loop3A_484 = arith.constant 1 : i32
        %parallel_loop3A_485 = arith.addi %parallel_loop3A_483, %parallel_loop3A_484 : i32
        %parallel_loop3A_486 = arith.constant 25 : i32
        %parallel_loop3A_487 = arith.constant 25 : i32
        %parallel_loop3A_488 = arith.constant 0 : i32
        %parallel_loop3A_489 = tpu.memref_slice %arg6[%parallel_loop3A_16, %parallel_loop3A_487, %parallel_loop3A_488] : memref<8x26x32xf32, #tpu.memory_space<vmem>> -> memref<1x1x32xf32, #tpu.memory_space<vmem>>
        %parallel_loop3A_490 = tpu.memref_squeeze %parallel_loop3A_489 : memref<1x1x32xf32, #tpu.memory_space<vmem>> -> memref<32xf32, #tpu.memory_space<vmem>>
        %parallel_loop3A_491 = arith.constant 0 : i32
        %parallel_loop3A_492 = tpu.memref_slice %arg3[%parallel_loop3A_486, %parallel_loop3A_485, %parallel_loop3A_491] : memref<26x100001x32xf32, #tpu.memory_space<hbm>> -> memref<1x1x32xf32, #tpu.memory_space<hbm>>
        %parallel_loop3A_493 = tpu.memref_squeeze %parallel_loop3A_492 : memref<1x1x32xf32, #tpu.memory_space<hbm>> -> memref<32xf32, #tpu.memory_space<hbm>>
        %parallel_loop3A_494 = arith.constant 0 : i32
        %parallel_loop3A_495 = tpu.memref_slice %arg6[%parallel_loop3A_16, %parallel_loop3A_487, %parallel_loop3A_494] : memref<8x26x32xf32, #tpu.memory_space<vmem>> -> memref<1x1x32xf32, #tpu.memory_space<vmem>>
        %parallel_loop3A_496 = tpu.memref_squeeze %parallel_loop3A_495 : memref<1x1x32xf32, #tpu.memory_space<vmem>> -> memref<32xf32, #tpu.memory_space<vmem>>
        %parallel_loop3A_497 = arith.constant 0 : i32
        %parallel_loop3A_498 = tpu.memref_slice %arg3[%parallel_loop3A_486, %parallel_loop3A_485, %parallel_loop3A_497] : memref<26x100001x32xf32, #tpu.memory_space<hbm>> -> memref<1x1x32xf32, #tpu.memory_space<hbm>>
        %parallel_loop3A_499 = tpu.memref_squeeze %parallel_loop3A_498 : memref<1x1x32xf32, #tpu.memory_space<hbm>> -> memref<32xf32, #tpu.memory_space<hbm>>
        tpu.enqueue_dma source(%parallel_loop3A_499 : memref<32xf32, #tpu.memory_space<hbm>>) target(%parallel_loop3A_496 : memref<32xf32, #tpu.memory_space<vmem>>) target_semaphore(%arg7 : memref<!tpu.dma_semaphore, #tpu.memory_space<semaphore_mem>>)
        %parallel_loop3A_500 = arith.constant 0 : i32
        %parallel_loop3A_501 = arith.constant 0 : i32
        %parallel_loop3A_502 = arith.constant 0 : i32
        %parallel_loop3A_503 = tpu.memref_slice %arg6[%parallel_loop3A_16, %parallel_loop3A_501, %parallel_loop3A_502] : memref<8x26x32xf32, #tpu.memory_space<vmem>> -> memref<1x1x32xf32, #tpu.memory_space<vmem>>
        %parallel_loop3A_504 = tpu.memref_squeeze %parallel_loop3A_503 : memref<1x1x32xf32, #tpu.memory_space<vmem>> -> memref<32xf32, #tpu.memory_space<vmem>>
        %parallel_loop3A_505 = arith.constant 0 : i32
        %parallel_loop3A_506 = tpu.memref_slice %arg3[%parallel_loop3A_500, %parallel_loop3A_35, %parallel_loop3A_505] : memref<26x100001x32xf32, #tpu.memory_space<hbm>> -> memref<1x1x32xf32, #tpu.memory_space<hbm>>
        %parallel_loop3A_507 = tpu.memref_squeeze %parallel_loop3A_506 : memref<1x1x32xf32, #tpu.memory_space<hbm>> -> memref<32xf32, #tpu.memory_space<hbm>>
        %parallel_loop3A_508 = arith.constant 0 : i32
        %parallel_loop3A_509 = tpu.memref_slice %arg6[%parallel_loop3A_16, %parallel_loop3A_501, %parallel_loop3A_508] : memref<8x26x32xf32, #tpu.memory_space<vmem>> -> memref<1x1x32xf32, #tpu.memory_space<vmem>>
        %parallel_loop3A_510 = tpu.memref_squeeze %parallel_loop3A_509 : memref<1x1x32xf32, #tpu.memory_space<vmem>> -> memref<32xf32, #tpu.memory_space<vmem>>
        %parallel_loop3A_511 = arith.constant 0 : i32
        %parallel_loop3A_512 = tpu.memref_slice %arg3[%parallel_loop3A_500, %parallel_loop3A_35, %parallel_loop3A_511] : memref<26x100001x32xf32, #tpu.memory_space<hbm>> -> memref<1x1x32xf32, #tpu.memory_space<hbm>>
        %parallel_loop3A_513 = tpu.memref_squeeze %parallel_loop3A_512 : memref<1x1x32xf32, #tpu.memory_space<hbm>> -> memref<32xf32, #tpu.memory_space<hbm>>
        tpu.wait_dma2 semaphore(%arg7 : memref<!tpu.dma_semaphore, #tpu.memory_space<semaphore_mem>>) src(%parallel_loop3A_513 : memref<32xf32, #tpu.memory_space<hbm>>) dst(%parallel_loop3A_510 : memref<32xf32, #tpu.memory_space<vmem>>)
        %parallel_loop3A_514 = arith.constant 1 : i32
        %parallel_loop3A_515 = arith.constant 1 : i32
        %parallel_loop3A_516 = arith.constant 0 : i32
        %parallel_loop3A_517 = tpu.memref_slice %arg6[%parallel_loop3A_16, %parallel_loop3A_515, %parallel_loop3A_516] : memref<8x26x32xf32, #tpu.memory_space<vmem>> -> memref<1x1x32xf32, #tpu.memory_space<vmem>>
        %parallel_loop3A_518 = tpu.memref_squeeze %parallel_loop3A_517 : memref<1x1x32xf32, #tpu.memory_space<vmem>> -> memref<32xf32, #tpu.memory_space<vmem>>
        %parallel_loop3A_519 = arith.constant 0 : i32
        %parallel_loop3A_520 = tpu.memref_slice %arg3[%parallel_loop3A_514, %parallel_loop3A_53, %parallel_loop3A_519] : memref<26x100001x32xf32, #tpu.memory_space<hbm>> -> memref<1x1x32xf32, #tpu.memory_space<hbm>>
        %parallel_loop3A_521 = tpu.memref_squeeze %parallel_loop3A_520 : memref<1x1x32xf32, #tpu.memory_space<hbm>> -> memref<32xf32, #tpu.memory_space<hbm>>
        %parallel_loop3A_522 = arith.constant 0 : i32
        %parallel_loop3A_523 = tpu.memref_slice %arg6[%parallel_loop3A_16, %parallel_loop3A_515, %parallel_loop3A_522] : memref<8x26x32xf32, #tpu.memory_space<vmem>> -> memref<1x1x32xf32, #tpu.memory_space<vmem>>
        %parallel_loop3A_524 = tpu.memref_squeeze %parallel_loop3A_523 : memref<1x1x32xf32, #tpu.memory_space<vmem>> -> memref<32xf32, #tpu.memory_space<vmem>>
        %parallel_loop3A_525 = arith.constant 0 : i32
        %parallel_loop3A_526 = tpu.memref_slice %arg3[%parallel_loop3A_514, %parallel_loop3A_53, %parallel_loop3A_525] : memref<26x100001x32xf32, #tpu.memory_space<hbm>> -> memref<1x1x32xf32, #tpu.memory_space<hbm>>
        %parallel_loop3A_527 = tpu.memref_squeeze %parallel_loop3A_526 : memref<1x1x32xf32, #tpu.memory_space<hbm>> -> memref<32xf32, #tpu.memory_space<hbm>>
        tpu.wait_dma2 semaphore(%arg7 : memref<!tpu.dma_semaphore, #tpu.memory_space<semaphore_mem>>) src(%parallel_loop3A_527 : memref<32xf32, #tpu.memory_space<hbm>>) dst(%parallel_loop3A_524 : memref<32xf32, #tpu.memory_space<vmem>>)
        %parallel_loop3A_528 = arith.constant 2 : i32
        %parallel_loop3A_529 = arith.constant 2 : i32
        %parallel_loop3A_530 = arith.constant 0 : i32
        %parallel_loop3A_531 = tpu.memref_slice %arg6[%parallel_loop3A_16, %parallel_loop3A_529, %parallel_loop3A_530] : memref<8x26x32xf32, #tpu.memory_space<vmem>> -> memref<1x1x32xf32, #tpu.memory_space<vmem>>
        %parallel_loop3A_532 = tpu.memref_squeeze %parallel_loop3A_531 : memref<1x1x32xf32, #tpu.memory_space<vmem>> -> memref<32xf32, #tpu.memory_space<vmem>>
        %parallel_loop3A_533 = arith.constant 0 : i32
        %parallel_loop3A_534 = tpu.memref_slice %arg3[%parallel_loop3A_528, %parallel_loop3A_71, %parallel_loop3A_533] : memref<26x100001x32xf32, #tpu.memory_space<hbm>> -> memref<1x1x32xf32, #tpu.memory_space<hbm>>
        %parallel_loop3A_535 = tpu.memref_squeeze %parallel_loop3A_534 : memref<1x1x32xf32, #tpu.memory_space<hbm>> -> memref<32xf32, #tpu.memory_space<hbm>>
        %parallel_loop3A_536 = arith.constant 0 : i32
        %parallel_loop3A_537 = tpu.memref_slice %arg6[%parallel_loop3A_16, %parallel_loop3A_529, %parallel_loop3A_536] : memref<8x26x32xf32, #tpu.memory_space<vmem>> -> memref<1x1x32xf32, #tpu.memory_space<vmem>>
        %parallel_loop3A_538 = tpu.memref_squeeze %parallel_loop3A_537 : memref<1x1x32xf32, #tpu.memory_space<vmem>> -> memref<32xf32, #tpu.memory_space<vmem>>
        %parallel_loop3A_539 = arith.constant 0 : i32
        %parallel_loop3A_540 = tpu.memref_slice %arg3[%parallel_loop3A_528, %parallel_loop3A_71, %parallel_loop3A_539] : memref<26x100001x32xf32, #tpu.memory_space<hbm>> -> memref<1x1x32xf32, #tpu.memory_space<hbm>>
        %parallel_loop3A_541 = tpu.memref_squeeze %parallel_loop3A_540 : memref<1x1x32xf32, #tpu.memory_space<hbm>> -> memref<32xf32, #tpu.memory_space<hbm>>
        tpu.wait_dma2 semaphore(%arg7 : memref<!tpu.dma_semaphore, #tpu.memory_space<semaphore_mem>>) src(%parallel_loop3A_541 : memref<32xf32, #tpu.memory_space<hbm>>) dst(%parallel_loop3A_538 : memref<32xf32, #tpu.memory_space<vmem>>)
        %parallel_loop3A_542 = arith.constant 3 : i32
        %parallel_loop3A_543 = arith.constant 3 : i32
        %parallel_loop3A_544 = arith.constant 0 : i32
        %parallel_loop3A_545 = tpu.memref_slice %arg6[%parallel_loop3A_16, %parallel_loop3A_543, %parallel_loop3A_544] : memref<8x26x32xf32, #tpu.memory_space<vmem>> -> memref<1x1x32xf32, #tpu.memory_space<vmem>>
        %parallel_loop3A_546 = tpu.memref_squeeze %parallel_loop3A_545 : memref<1x1x32xf32, #tpu.memory_space<vmem>> -> memref<32xf32, #tpu.memory_space<vmem>>
        %parallel_loop3A_547 = arith.constant 0 : i32
        %parallel_loop3A_548 = tpu.memref_slice %arg3[%parallel_loop3A_542, %parallel_loop3A_89, %parallel_loop3A_547] : memref<26x100001x32xf32, #tpu.memory_space<hbm>> -> memref<1x1x32xf32, #tpu.memory_space<hbm>>
        %parallel_loop3A_549 = tpu.memref_squeeze %parallel_loop3A_548 : memref<1x1x32xf32, #tpu.memory_space<hbm>> -> memref<32xf32, #tpu.memory_space<hbm>>
        %parallel_loop3A_550 = arith.constant 0 : i32
        %parallel_loop3A_551 = tpu.memref_slice %arg6[%parallel_loop3A_16, %parallel_loop3A_543, %parallel_loop3A_550] : memref<8x26x32xf32, #tpu.memory_space<vmem>> -> memref<1x1x32xf32, #tpu.memory_space<vmem>>
        %parallel_loop3A_552 = tpu.memref_squeeze %parallel_loop3A_551 : memref<1x1x32xf32, #tpu.memory_space<vmem>> -> memref<32xf32, #tpu.memory_space<vmem>>
        %parallel_loop3A_553 = arith.constant 0 : i32
        %parallel_loop3A_554 = tpu.memref_slice %arg3[%parallel_loop3A_542, %parallel_loop3A_89, %parallel_loop3A_553] : memref<26x100001x32xf32, #tpu.memory_space<hbm>> -> memref<1x1x32xf32, #tpu.memory_space<hbm>>
        %parallel_loop3A_555 = tpu.memref_squeeze %parallel_loop3A_554 : memref<1x1x32xf32, #tpu.memory_space<hbm>> -> memref<32xf32, #tpu.memory_space<hbm>>
        tpu.wait_dma2 semaphore(%arg7 : memref<!tpu.dma_semaphore, #tpu.memory_space<semaphore_mem>>) src(%parallel_loop3A_555 : memref<32xf32, #tpu.memory_space<hbm>>) dst(%parallel_loop3A_552 : memref<32xf32, #tpu.memory_space<vmem>>)
        %parallel_loop3A_556 = arith.constant 4 : i32
        %parallel_loop3A_557 = arith.constant 4 : i32
        %parallel_loop3A_558 = arith.constant 0 : i32
        %parallel_loop3A_559 = tpu.memref_slice %arg6[%parallel_loop3A_16, %parallel_loop3A_557, %parallel_loop3A_558] : memref<8x26x32xf32, #tpu.memory_space<vmem>> -> memref<1x1x32xf32, #tpu.memory_space<vmem>>
        %parallel_loop3A_560 = tpu.memref_squeeze %parallel_loop3A_559 : memref<1x1x32xf32, #tpu.memory_space<vmem>> -> memref<32xf32, #tpu.memory_space<vmem>>
        %parallel_loop3A_561 = arith.constant 0 : i32
        %parallel_loop3A_562 = tpu.memref_slice %arg3[%parallel_loop3A_556, %parallel_loop3A_107, %parallel_loop3A_561] : memref<26x100001x32xf32, #tpu.memory_space<hbm>> -> memref<1x1x32xf32, #tpu.memory_space<hbm>>
        %parallel_loop3A_563 = tpu.memref_squeeze %parallel_loop3A_562 : memref<1x1x32xf32, #tpu.memory_space<hbm>> -> memref<32xf32, #tpu.memory_space<hbm>>
        %parallel_loop3A_564 = arith.constant 0 : i32
        %parallel_loop3A_565 = tpu.memref_slice %arg6[%parallel_loop3A_16, %parallel_loop3A_557, %parallel_loop3A_564] : memref<8x26x32xf32, #tpu.memory_space<vmem>> -> memref<1x1x32xf32, #tpu.memory_space<vmem>>
        %parallel_loop3A_566 = tpu.memref_squeeze %parallel_loop3A_565 : memref<1x1x32xf32, #tpu.memory_space<vmem>> -> memref<32xf32, #tpu.memory_space<vmem>>
        %parallel_loop3A_567 = arith.constant 0 : i32
        %parallel_loop3A_568 = tpu.memref_slice %arg3[%parallel_loop3A_556, %parallel_loop3A_107, %parallel_loop3A_567] : memref<26x100001x32xf32, #tpu.memory_space<hbm>> -> memref<1x1x32xf32, #tpu.memory_space<hbm>>
        %parallel_loop3A_569 = tpu.memref_squeeze %parallel_loop3A_568 : memref<1x1x32xf32, #tpu.memory_space<hbm>> -> memref<32xf32, #tpu.memory_space<hbm>>
        tpu.wait_dma2 semaphore(%arg7 : memref<!tpu.dma_semaphore, #tpu.memory_space<semaphore_mem>>) src(%parallel_loop3A_569 : memref<32xf32, #tpu.memory_space<hbm>>) dst(%parallel_loop3A_566 : memref<32xf32, #tpu.memory_space<vmem>>)
        %parallel_loop3A_570 = arith.constant 5 : i32
        %parallel_loop3A_571 = arith.constant 5 : i32
        %parallel_loop3A_572 = arith.constant 0 : i32
        %parallel_loop3A_573 = tpu.memref_slice %arg6[%parallel_loop3A_16, %parallel_loop3A_571, %parallel_loop3A_572] : memref<8x26x32xf32, #tpu.memory_space<vmem>> -> memref<1x1x32xf32, #tpu.memory_space<vmem>>
        %parallel_loop3A_574 = tpu.memref_squeeze %parallel_loop3A_573 : memref<1x1x32xf32, #tpu.memory_space<vmem>> -> memref<32xf32, #tpu.memory_space<vmem>>
        %parallel_loop3A_575 = arith.constant 0 : i32
        %parallel_loop3A_576 = tpu.memref_slice %arg3[%parallel_loop3A_570, %parallel_loop3A_125, %parallel_loop3A_575] : memref<26x100001x32xf32, #tpu.memory_space<hbm>> -> memref<1x1x32xf32, #tpu.memory_space<hbm>>
        %parallel_loop3A_577 = tpu.memref_squeeze %parallel_loop3A_576 : memref<1x1x32xf32, #tpu.memory_space<hbm>> -> memref<32xf32, #tpu.memory_space<hbm>>
        %parallel_loop3A_578 = arith.constant 0 : i32
        %parallel_loop3A_579 = tpu.memref_slice %arg6[%parallel_loop3A_16, %parallel_loop3A_571, %parallel_loop3A_578] : memref<8x26x32xf32, #tpu.memory_space<vmem>> -> memref<1x1x32xf32, #tpu.memory_space<vmem>>
        %parallel_loop3A_580 = tpu.memref_squeeze %parallel_loop3A_579 : memref<1x1x32xf32, #tpu.memory_space<vmem>> -> memref<32xf32, #tpu.memory_space<vmem>>
        %parallel_loop3A_581 = arith.constant 0 : i32
        %parallel_loop3A_582 = tpu.memref_slice %arg3[%parallel_loop3A_570, %parallel_loop3A_125, %parallel_loop3A_581] : memref<26x100001x32xf32, #tpu.memory_space<hbm>> -> memref<1x1x32xf32, #tpu.memory_space<hbm>>
        %parallel_loop3A_583 = tpu.memref_squeeze %parallel_loop3A_582 : memref<1x1x32xf32, #tpu.memory_space<hbm>> -> memref<32xf32, #tpu.memory_space<hbm>>
        tpu.wait_dma2 semaphore(%arg7 : memref<!tpu.dma_semaphore, #tpu.memory_space<semaphore_mem>>) src(%parallel_loop3A_583 : memref<32xf32, #tpu.memory_space<hbm>>) dst(%parallel_loop3A_580 : memref<32xf32, #tpu.memory_space<vmem>>)
        %parallel_loop3A_584 = arith.constant 6 : i32
        %parallel_loop3A_585 = arith.constant 6 : i32
        %parallel_loop3A_586 = arith.constant 0 : i32
        %parallel_loop3A_587 = tpu.memref_slice %arg6[%parallel_loop3A_16, %parallel_loop3A_585, %parallel_loop3A_586] : memref<8x26x32xf32, #tpu.memory_space<vmem>> -> memref<1x1x32xf32, #tpu.memory_space<vmem>>
        %parallel_loop3A_588 = tpu.memref_squeeze %parallel_loop3A_587 : memref<1x1x32xf32, #tpu.memory_space<vmem>> -> memref<32xf32, #tpu.memory_space<vmem>>
        %parallel_loop3A_589 = arith.constant 0 : i32
        %parallel_loop3A_590 = tpu.memref_slice %arg3[%parallel_loop3A_584, %parallel_loop3A_143, %parallel_loop3A_589] : memref<26x100001x32xf32, #tpu.memory_space<hbm>> -> memref<1x1x32xf32, #tpu.memory_space<hbm>>
        %parallel_loop3A_591 = tpu.memref_squeeze %parallel_loop3A_590 : memref<1x1x32xf32, #tpu.memory_space<hbm>> -> memref<32xf32, #tpu.memory_space<hbm>>
        %parallel_loop3A_592 = arith.constant 0 : i32
        %parallel_loop3A_593 = tpu.memref_slice %arg6[%parallel_loop3A_16, %parallel_loop3A_585, %parallel_loop3A_592] : memref<8x26x32xf32, #tpu.memory_space<vmem>> -> memref<1x1x32xf32, #tpu.memory_space<vmem>>
        %parallel_loop3A_594 = tpu.memref_squeeze %parallel_loop3A_593 : memref<1x1x32xf32, #tpu.memory_space<vmem>> -> memref<32xf32, #tpu.memory_space<vmem>>
        %parallel_loop3A_595 = arith.constant 0 : i32
        %parallel_loop3A_596 = tpu.memref_slice %arg3[%parallel_loop3A_584, %parallel_loop3A_143, %parallel_loop3A_595] : memref<26x100001x32xf32, #tpu.memory_space<hbm>> -> memref<1x1x32xf32, #tpu.memory_space<hbm>>
        %parallel_loop3A_597 = tpu.memref_squeeze %parallel_loop3A_596 : memref<1x1x32xf32, #tpu.memory_space<hbm>> -> memref<32xf32, #tpu.memory_space<hbm>>
        tpu.wait_dma2 semaphore(%arg7 : memref<!tpu.dma_semaphore, #tpu.memory_space<semaphore_mem>>) src(%parallel_loop3A_597 : memref<32xf32, #tpu.memory_space<hbm>>) dst(%parallel_loop3A_594 : memref<32xf32, #tpu.memory_space<vmem>>)
        %parallel_loop3A_598 = arith.constant 7 : i32
        %parallel_loop3A_599 = arith.constant 7 : i32
        %parallel_loop3A_600 = arith.constant 0 : i32
        %parallel_loop3A_601 = tpu.memref_slice %arg6[%parallel_loop3A_16, %parallel_loop3A_599, %parallel_loop3A_600] : memref<8x26x32xf32, #tpu.memory_space<vmem>> -> memref<1x1x32xf32, #tpu.memory_space<vmem>>
        %parallel_loop3A_602 = tpu.memref_squeeze %parallel_loop3A_601 : memref<1x1x32xf32, #tpu.memory_space<vmem>> -> memref<32xf32, #tpu.memory_space<vmem>>
        %parallel_loop3A_603 = arith.constant 0 : i32
        %parallel_loop3A_604 = tpu.memref_slice %arg3[%parallel_loop3A_598, %parallel_loop3A_161, %parallel_loop3A_603] : memref<26x100001x32xf32, #tpu.memory_space<hbm>> -> memref<1x1x32xf32, #tpu.memory_space<hbm>>
        %parallel_loop3A_605 = tpu.memref_squeeze %parallel_loop3A_604 : memref<1x1x32xf32, #tpu.memory_space<hbm>> -> memref<32xf32, #tpu.memory_space<hbm>>
        %parallel_loop3A_606 = arith.constant 0 : i32
        %parallel_loop3A_607 = tpu.memref_slice %arg6[%parallel_loop3A_16, %parallel_loop3A_599, %parallel_loop3A_606] : memref<8x26x32xf32, #tpu.memory_space<vmem>> -> memref<1x1x32xf32, #tpu.memory_space<vmem>>
        %parallel_loop3A_608 = tpu.memref_squeeze %parallel_loop3A_607 : memref<1x1x32xf32, #tpu.memory_space<vmem>> -> memref<32xf32, #tpu.memory_space<vmem>>
        %parallel_loop3A_609 = arith.constant 0 : i32
        %parallel_loop3A_610 = tpu.memref_slice %arg3[%parallel_loop3A_598, %parallel_loop3A_161, %parallel_loop3A_609] : memref<26x100001x32xf32, #tpu.memory_space<hbm>> -> memref<1x1x32xf32, #tpu.memory_space<hbm>>
        %parallel_loop3A_611 = tpu.memref_squeeze %parallel_loop3A_610 : memref<1x1x32xf32, #tpu.memory_space<hbm>> -> memref<32xf32, #tpu.memory_space<hbm>>
        tpu.wait_dma2 semaphore(%arg7 : memref<!tpu.dma_semaphore, #tpu.memory_space<semaphore_mem>>) src(%parallel_loop3A_611 : memref<32xf32, #tpu.memory_space<hbm>>) dst(%parallel_loop3A_608 : memref<32xf32, #tpu.memory_space<vmem>>)
        %parallel_loop3A_612 = arith.constant 8 : i32
        %parallel_loop3A_613 = arith.constant 8 : i32
        %parallel_loop3A_614 = arith.constant 0 : i32
        %parallel_loop3A_615 = tpu.memref_slice %arg6[%parallel_loop3A_16, %parallel_loop3A_613, %parallel_loop3A_614] : memref<8x26x32xf32, #tpu.memory_space<vmem>> -> memref<1x1x32xf32, #tpu.memory_space<vmem>>
        %parallel_loop3A_616 = tpu.memref_squeeze %parallel_loop3A_615 : memref<1x1x32xf32, #tpu.memory_space<vmem>> -> memref<32xf32, #tpu.memory_space<vmem>>
        %parallel_loop3A_617 = arith.constant 0 : i32
        %parallel_loop3A_618 = tpu.memref_slice %arg3[%parallel_loop3A_612, %parallel_loop3A_179, %parallel_loop3A_617] : memref<26x100001x32xf32, #tpu.memory_space<hbm>> -> memref<1x1x32xf32, #tpu.memory_space<hbm>>
        %parallel_loop3A_619 = tpu.memref_squeeze %parallel_loop3A_618 : memref<1x1x32xf32, #tpu.memory_space<hbm>> -> memref<32xf32, #tpu.memory_space<hbm>>
        %parallel_loop3A_620 = arith.constant 0 : i32
        %parallel_loop3A_621 = tpu.memref_slice %arg6[%parallel_loop3A_16, %parallel_loop3A_613, %parallel_loop3A_620] : memref<8x26x32xf32, #tpu.memory_space<vmem>> -> memref<1x1x32xf32, #tpu.memory_space<vmem>>
        %parallel_loop3A_622 = tpu.memref_squeeze %parallel_loop3A_621 : memref<1x1x32xf32, #tpu.memory_space<vmem>> -> memref<32xf32, #tpu.memory_space<vmem>>
        %parallel_loop3A_623 = arith.constant 0 : i32
        %parallel_loop3A_624 = tpu.memref_slice %arg3[%parallel_loop3A_612, %parallel_loop3A_179, %parallel_loop3A_623] : memref<26x100001x32xf32, #tpu.memory_space<hbm>> -> memref<1x1x32xf32, #tpu.memory_space<hbm>>
        %parallel_loop3A_625 = tpu.memref_squeeze %parallel_loop3A_624 : memref<1x1x32xf32, #tpu.memory_space<hbm>> -> memref<32xf32, #tpu.memory_space<hbm>>
        tpu.wait_dma2 semaphore(%arg7 : memref<!tpu.dma_semaphore, #tpu.memory_space<semaphore_mem>>) src(%parallel_loop3A_625 : memref<32xf32, #tpu.memory_space<hbm>>) dst(%parallel_loop3A_622 : memref<32xf32, #tpu.memory_space<vmem>>)
        %parallel_loop3A_626 = arith.constant 9 : i32
        %parallel_loop3A_627 = arith.constant 9 : i32
        %parallel_loop3A_628 = arith.constant 0 : i32
        %parallel_loop3A_629 = tpu.memref_slice %arg6[%parallel_loop3A_16, %parallel_loop3A_627, %parallel_loop3A_628] : memref<8x26x32xf32, #tpu.memory_space<vmem>> -> memref<1x1x32xf32, #tpu.memory_space<vmem>>
        %parallel_loop3A_630 = tpu.memref_squeeze %parallel_loop3A_629 : memref<1x1x32xf32, #tpu.memory_space<vmem>> -> memref<32xf32, #tpu.memory_space<vmem>>
        %parallel_loop3A_631 = arith.constant 0 : i32
        %parallel_loop3A_632 = tpu.memref_slice %arg3[%parallel_loop3A_626, %parallel_loop3A_197, %parallel_loop3A_631] : memref<26x100001x32xf32, #tpu.memory_space<hbm>> -> memref<1x1x32xf32, #tpu.memory_space<hbm>>
        %parallel_loop3A_633 = tpu.memref_squeeze %parallel_loop3A_632 : memref<1x1x32xf32, #tpu.memory_space<hbm>> -> memref<32xf32, #tpu.memory_space<hbm>>
        %parallel_loop3A_634 = arith.constant 0 : i32
        %parallel_loop3A_635 = tpu.memref_slice %arg6[%parallel_loop3A_16, %parallel_loop3A_627, %parallel_loop3A_634] : memref<8x26x32xf32, #tpu.memory_space<vmem>> -> memref<1x1x32xf32, #tpu.memory_space<vmem>>
        %parallel_loop3A_636 = tpu.memref_squeeze %parallel_loop3A_635 : memref<1x1x32xf32, #tpu.memory_space<vmem>> -> memref<32xf32, #tpu.memory_space<vmem>>
        %parallel_loop3A_637 = arith.constant 0 : i32
        %parallel_loop3A_638 = tpu.memref_slice %arg3[%parallel_loop3A_626, %parallel_loop3A_197, %parallel_loop3A_637] : memref<26x100001x32xf32, #tpu.memory_space<hbm>> -> memref<1x1x32xf32, #tpu.memory_space<hbm>>
        %parallel_loop3A_639 = tpu.memref_squeeze %parallel_loop3A_638 : memref<1x1x32xf32, #tpu.memory_space<hbm>> -> memref<32xf32, #tpu.memory_space<hbm>>
        tpu.wait_dma2 semaphore(%arg7 : memref<!tpu.dma_semaphore, #tpu.memory_space<semaphore_mem>>) src(%parallel_loop3A_639 : memref<32xf32, #tpu.memory_space<hbm>>) dst(%parallel_loop3A_636 : memref<32xf32, #tpu.memory_space<vmem>>)
        %parallel_loop3A_640 = arith.constant 10 : i32
        %parallel_loop3A_641 = arith.constant 10 : i32
        %parallel_loop3A_642 = arith.constant 0 : i32
        %parallel_loop3A_643 = tpu.memref_slice %arg6[%parallel_loop3A_16, %parallel_loop3A_641, %parallel_loop3A_642] : memref<8x26x32xf32, #tpu.memory_space<vmem>> -> memref<1x1x32xf32, #tpu.memory_space<vmem>>
        %parallel_loop3A_644 = tpu.memref_squeeze %parallel_loop3A_643 : memref<1x1x32xf32, #tpu.memory_space<vmem>> -> memref<32xf32, #tpu.memory_space<vmem>>
        %parallel_loop3A_645 = arith.constant 0 : i32
        %parallel_loop3A_646 = tpu.memref_slice %arg3[%parallel_loop3A_640, %parallel_loop3A_215, %parallel_loop3A_645] : memref<26x100001x32xf32, #tpu.memory_space<hbm>> -> memref<1x1x32xf32, #tpu.memory_space<hbm>>
        %parallel_loop3A_647 = tpu.memref_squeeze %parallel_loop3A_646 : memref<1x1x32xf32, #tpu.memory_space<hbm>> -> memref<32xf32, #tpu.memory_space<hbm>>
        %parallel_loop3A_648 = arith.constant 0 : i32
        %parallel_loop3A_649 = tpu.memref_slice %arg6[%parallel_loop3A_16, %parallel_loop3A_641, %parallel_loop3A_648] : memref<8x26x32xf32, #tpu.memory_space<vmem>> -> memref<1x1x32xf32, #tpu.memory_space<vmem>>
        %parallel_loop3A_650 = tpu.memref_squeeze %parallel_loop3A_649 : memref<1x1x32xf32, #tpu.memory_space<vmem>> -> memref<32xf32, #tpu.memory_space<vmem>>
        %parallel_loop3A_651 = arith.constant 0 : i32
        %parallel_loop3A_652 = tpu.memref_slice %arg3[%parallel_loop3A_640, %parallel_loop3A_215, %parallel_loop3A_651] : memref<26x100001x32xf32, #tpu.memory_space<hbm>> -> memref<1x1x32xf32, #tpu.memory_space<hbm>>
        %parallel_loop3A_653 = tpu.memref_squeeze %parallel_loop3A_652 : memref<1x1x32xf32, #tpu.memory_space<hbm>> -> memref<32xf32, #tpu.memory_space<hbm>>
        tpu.wait_dma2 semaphore(%arg7 : memref<!tpu.dma_semaphore, #tpu.memory_space<semaphore_mem>>) src(%parallel_loop3A_653 : memref<32xf32, #tpu.memory_space<hbm>>) dst(%parallel_loop3A_650 : memref<32xf32, #tpu.memory_space<vmem>>)
        %parallel_loop3A_654 = arith.constant 11 : i32
        %parallel_loop3A_655 = arith.constant 11 : i32
        %parallel_loop3A_656 = arith.constant 0 : i32
        %parallel_loop3A_657 = tpu.memref_slice %arg6[%parallel_loop3A_16, %parallel_loop3A_655, %parallel_loop3A_656] : memref<8x26x32xf32, #tpu.memory_space<vmem>> -> memref<1x1x32xf32, #tpu.memory_space<vmem>>
        %parallel_loop3A_658 = tpu.memref_squeeze %parallel_loop3A_657 : memref<1x1x32xf32, #tpu.memory_space<vmem>> -> memref<32xf32, #tpu.memory_space<vmem>>
        %parallel_loop3A_659 = arith.constant 0 : i32
        %parallel_loop3A_660 = tpu.memref_slice %arg3[%parallel_loop3A_654, %parallel_loop3A_233, %parallel_loop3A_659] : memref<26x100001x32xf32, #tpu.memory_space<hbm>> -> memref<1x1x32xf32, #tpu.memory_space<hbm>>
        %parallel_loop3A_661 = tpu.memref_squeeze %parallel_loop3A_660 : memref<1x1x32xf32, #tpu.memory_space<hbm>> -> memref<32xf32, #tpu.memory_space<hbm>>
        %parallel_loop3A_662 = arith.constant 0 : i32
        %parallel_loop3A_663 = tpu.memref_slice %arg6[%parallel_loop3A_16, %parallel_loop3A_655, %parallel_loop3A_662] : memref<8x26x32xf32, #tpu.memory_space<vmem>> -> memref<1x1x32xf32, #tpu.memory_space<vmem>>
        %parallel_loop3A_664 = tpu.memref_squeeze %parallel_loop3A_663 : memref<1x1x32xf32, #tpu.memory_space<vmem>> -> memref<32xf32, #tpu.memory_space<vmem>>
        %parallel_loop3A_665 = arith.constant 0 : i32
        %parallel_loop3A_666 = tpu.memref_slice %arg3[%parallel_loop3A_654, %parallel_loop3A_233, %parallel_loop3A_665] : memref<26x100001x32xf32, #tpu.memory_space<hbm>> -> memref<1x1x32xf32, #tpu.memory_space<hbm>>
        %parallel_loop3A_667 = tpu.memref_squeeze %parallel_loop3A_666 : memref<1x1x32xf32, #tpu.memory_space<hbm>> -> memref<32xf32, #tpu.memory_space<hbm>>
        tpu.wait_dma2 semaphore(%arg7 : memref<!tpu.dma_semaphore, #tpu.memory_space<semaphore_mem>>) src(%parallel_loop3A_667 : memref<32xf32, #tpu.memory_space<hbm>>) dst(%parallel_loop3A_664 : memref<32xf32, #tpu.memory_space<vmem>>)
        %parallel_loop3A_668 = arith.constant 12 : i32
        %parallel_loop3A_669 = arith.constant 12 : i32
        %parallel_loop3A_670 = arith.constant 0 : i32
        %parallel_loop3A_671 = tpu.memref_slice %arg6[%parallel_loop3A_16, %parallel_loop3A_669, %parallel_loop3A_670] : memref<8x26x32xf32, #tpu.memory_space<vmem>> -> memref<1x1x32xf32, #tpu.memory_space<vmem>>
        %parallel_loop3A_672 = tpu.memref_squeeze %parallel_loop3A_671 : memref<1x1x32xf32, #tpu.memory_space<vmem>> -> memref<32xf32, #tpu.memory_space<vmem>>
        %parallel_loop3A_673 = arith.constant 0 : i32
        %parallel_loop3A_674 = tpu.memref_slice %arg3[%parallel_loop3A_668, %parallel_loop3A_251, %parallel_loop3A_673] : memref<26x100001x32xf32, #tpu.memory_space<hbm>> -> memref<1x1x32xf32, #tpu.memory_space<hbm>>
        %parallel_loop3A_675 = tpu.memref_squeeze %parallel_loop3A_674 : memref<1x1x32xf32, #tpu.memory_space<hbm>> -> memref<32xf32, #tpu.memory_space<hbm>>
        %parallel_loop3A_676 = arith.constant 0 : i32
        %parallel_loop3A_677 = tpu.memref_slice %arg6[%parallel_loop3A_16, %parallel_loop3A_669, %parallel_loop3A_676] : memref<8x26x32xf32, #tpu.memory_space<vmem>> -> memref<1x1x32xf32, #tpu.memory_space<vmem>>
        %parallel_loop3A_678 = tpu.memref_squeeze %parallel_loop3A_677 : memref<1x1x32xf32, #tpu.memory_space<vmem>> -> memref<32xf32, #tpu.memory_space<vmem>>
        %parallel_loop3A_679 = arith.constant 0 : i32
        %parallel_loop3A_680 = tpu.memref_slice %arg3[%parallel_loop3A_668, %parallel_loop3A_251, %parallel_loop3A_679] : memref<26x100001x32xf32, #tpu.memory_space<hbm>> -> memref<1x1x32xf32, #tpu.memory_space<hbm>>
        %parallel_loop3A_681 = tpu.memref_squeeze %parallel_loop3A_680 : memref<1x1x32xf32, #tpu.memory_space<hbm>> -> memref<32xf32, #tpu.memory_space<hbm>>
        tpu.wait_dma2 semaphore(%arg7 : memref<!tpu.dma_semaphore, #tpu.memory_space<semaphore_mem>>) src(%parallel_loop3A_681 : memref<32xf32, #tpu.memory_space<hbm>>) dst(%parallel_loop3A_678 : memref<32xf32, #tpu.memory_space<vmem>>)
        %parallel_loop3A_682 = arith.constant 13 : i32
        %parallel_loop3A_683 = arith.constant 13 : i32
        %parallel_loop3A_684 = arith.constant 0 : i32
        %parallel_loop3A_685 = tpu.memref_slice %arg6[%parallel_loop3A_16, %parallel_loop3A_683, %parallel_loop3A_684] : memref<8x26x32xf32, #tpu.memory_space<vmem>> -> memref<1x1x32xf32, #tpu.memory_space<vmem>>
        %parallel_loop3A_686 = tpu.memref_squeeze %parallel_loop3A_685 : memref<1x1x32xf32, #tpu.memory_space<vmem>> -> memref<32xf32, #tpu.memory_space<vmem>>
        %parallel_loop3A_687 = arith.constant 0 : i32
        %parallel_loop3A_688 = tpu.memref_slice %arg3[%parallel_loop3A_682, %parallel_loop3A_269, %parallel_loop3A_687] : memref<26x100001x32xf32, #tpu.memory_space<hbm>> -> memref<1x1x32xf32, #tpu.memory_space<hbm>>
        %parallel_loop3A_689 = tpu.memref_squeeze %parallel_loop3A_688 : memref<1x1x32xf32, #tpu.memory_space<hbm>> -> memref<32xf32, #tpu.memory_space<hbm>>
        %parallel_loop3A_690 = arith.constant 0 : i32
        %parallel_loop3A_691 = tpu.memref_slice %arg6[%parallel_loop3A_16, %parallel_loop3A_683, %parallel_loop3A_690] : memref<8x26x32xf32, #tpu.memory_space<vmem>> -> memref<1x1x32xf32, #tpu.memory_space<vmem>>
        %parallel_loop3A_692 = tpu.memref_squeeze %parallel_loop3A_691 : memref<1x1x32xf32, #tpu.memory_space<vmem>> -> memref<32xf32, #tpu.memory_space<vmem>>
        %parallel_loop3A_693 = arith.constant 0 : i32
        %parallel_loop3A_694 = tpu.memref_slice %arg3[%parallel_loop3A_682, %parallel_loop3A_269, %parallel_loop3A_693] : memref<26x100001x32xf32, #tpu.memory_space<hbm>> -> memref<1x1x32xf32, #tpu.memory_space<hbm>>
        %parallel_loop3A_695 = tpu.memref_squeeze %parallel_loop3A_694 : memref<1x1x32xf32, #tpu.memory_space<hbm>> -> memref<32xf32, #tpu.memory_space<hbm>>
        tpu.wait_dma2 semaphore(%arg7 : memref<!tpu.dma_semaphore, #tpu.memory_space<semaphore_mem>>) src(%parallel_loop3A_695 : memref<32xf32, #tpu.memory_space<hbm>>) dst(%parallel_loop3A_692 : memref<32xf32, #tpu.memory_space<vmem>>)
        %parallel_loop3A_696 = arith.constant 14 : i32
        %parallel_loop3A_697 = arith.constant 14 : i32
        %parallel_loop3A_698 = arith.constant 0 : i32
        %parallel_loop3A_699 = tpu.memref_slice %arg6[%parallel_loop3A_16, %parallel_loop3A_697, %parallel_loop3A_698] : memref<8x26x32xf32, #tpu.memory_space<vmem>> -> memref<1x1x32xf32, #tpu.memory_space<vmem>>
        %parallel_loop3A_700 = tpu.memref_squeeze %parallel_loop3A_699 : memref<1x1x32xf32, #tpu.memory_space<vmem>> -> memref<32xf32, #tpu.memory_space<vmem>>
        %parallel_loop3A_701 = arith.constant 0 : i32
        %parallel_loop3A_702 = tpu.memref_slice %arg3[%parallel_loop3A_696, %parallel_loop3A_287, %parallel_loop3A_701] : memref<26x100001x32xf32, #tpu.memory_space<hbm>> -> memref<1x1x32xf32, #tpu.memory_space<hbm>>
        %parallel_loop3A_703 = tpu.memref_squeeze %parallel_loop3A_702 : memref<1x1x32xf32, #tpu.memory_space<hbm>> -> memref<32xf32, #tpu.memory_space<hbm>>
        %parallel_loop3A_704 = arith.constant 0 : i32
        %parallel_loop3A_705 = tpu.memref_slice %arg6[%parallel_loop3A_16, %parallel_loop3A_697, %parallel_loop3A_704] : memref<8x26x32xf32, #tpu.memory_space<vmem>> -> memref<1x1x32xf32, #tpu.memory_space<vmem>>
        %parallel_loop3A_706 = tpu.memref_squeeze %parallel_loop3A_705 : memref<1x1x32xf32, #tpu.memory_space<vmem>> -> memref<32xf32, #tpu.memory_space<vmem>>
        %parallel_loop3A_707 = arith.constant 0 : i32
        %parallel_loop3A_708 = tpu.memref_slice %arg3[%parallel_loop3A_696, %parallel_loop3A_287, %parallel_loop3A_707] : memref<26x100001x32xf32, #tpu.memory_space<hbm>> -> memref<1x1x32xf32, #tpu.memory_space<hbm>>
        %parallel_loop3A_709 = tpu.memref_squeeze %parallel_loop3A_708 : memref<1x1x32xf32, #tpu.memory_space<hbm>> -> memref<32xf32, #tpu.memory_space<hbm>>
        tpu.wait_dma2 semaphore(%arg7 : memref<!tpu.dma_semaphore, #tpu.memory_space<semaphore_mem>>) src(%parallel_loop3A_709 : memref<32xf32, #tpu.memory_space<hbm>>) dst(%parallel_loop3A_706 : memref<32xf32, #tpu.memory_space<vmem>>)
        %parallel_loop3A_710 = arith.constant 15 : i32
        %parallel_loop3A_711 = arith.constant 15 : i32
        %parallel_loop3A_712 = arith.constant 0 : i32
        %parallel_loop3A_713 = tpu.memref_slice %arg6[%parallel_loop3A_16, %parallel_loop3A_711, %parallel_loop3A_712] : memref<8x26x32xf32, #tpu.memory_space<vmem>> -> memref<1x1x32xf32, #tpu.memory_space<vmem>>
        %parallel_loop3A_714 = tpu.memref_squeeze %parallel_loop3A_713 : memref<1x1x32xf32, #tpu.memory_space<vmem>> -> memref<32xf32, #tpu.memory_space<vmem>>
        %parallel_loop3A_715 = arith.constant 0 : i32
        %parallel_loop3A_716 = tpu.memref_slice %arg3[%parallel_loop3A_710, %parallel_loop3A_305, %parallel_loop3A_715] : memref<26x100001x32xf32, #tpu.memory_space<hbm>> -> memref<1x1x32xf32, #tpu.memory_space<hbm>>
        %parallel_loop3A_717 = tpu.memref_squeeze %parallel_loop3A_716 : memref<1x1x32xf32, #tpu.memory_space<hbm>> -> memref<32xf32, #tpu.memory_space<hbm>>
        %parallel_loop3A_718 = arith.constant 0 : i32
        %parallel_loop3A_719 = tpu.memref_slice %arg6[%parallel_loop3A_16, %parallel_loop3A_711, %parallel_loop3A_718] : memref<8x26x32xf32, #tpu.memory_space<vmem>> -> memref<1x1x32xf32, #tpu.memory_space<vmem>>
        %parallel_loop3A_720 = tpu.memref_squeeze %parallel_loop3A_719 : memref<1x1x32xf32, #tpu.memory_space<vmem>> -> memref<32xf32, #tpu.memory_space<vmem>>
        %parallel_loop3A_721 = arith.constant 0 : i32
        %parallel_loop3A_722 = tpu.memref_slice %arg3[%parallel_loop3A_710, %parallel_loop3A_305, %parallel_loop3A_721] : memref<26x100001x32xf32, #tpu.memory_space<hbm>> -> memref<1x1x32xf32, #tpu.memory_space<hbm>>
        %parallel_loop3A_723 = tpu.memref_squeeze %parallel_loop3A_722 : memref<1x1x32xf32, #tpu.memory_space<hbm>> -> memref<32xf32, #tpu.memory_space<hbm>>
        tpu.wait_dma2 semaphore(%arg7 : memref<!tpu.dma_semaphore, #tpu.memory_space<semaphore_mem>>) src(%parallel_loop3A_723 : memref<32xf32, #tpu.memory_space<hbm>>) dst(%parallel_loop3A_720 : memref<32xf32, #tpu.memory_space<vmem>>)
        %parallel_loop3A_724 = arith.constant 16 : i32
        %parallel_loop3A_725 = arith.constant 16 : i32
        %parallel_loop3A_726 = arith.constant 0 : i32
        %parallel_loop3A_727 = tpu.memref_slice %arg6[%parallel_loop3A_16, %parallel_loop3A_725, %parallel_loop3A_726] : memref<8x26x32xf32, #tpu.memory_space<vmem>> -> memref<1x1x32xf32, #tpu.memory_space<vmem>>
        %parallel_loop3A_728 = tpu.memref_squeeze %parallel_loop3A_727 : memref<1x1x32xf32, #tpu.memory_space<vmem>> -> memref<32xf32, #tpu.memory_space<vmem>>
        %parallel_loop3A_729 = arith.constant 0 : i32
        %parallel_loop3A_730 = tpu.memref_slice %arg3[%parallel_loop3A_724, %parallel_loop3A_323, %parallel_loop3A_729] : memref<26x100001x32xf32, #tpu.memory_space<hbm>> -> memref<1x1x32xf32, #tpu.memory_space<hbm>>
        %parallel_loop3A_731 = tpu.memref_squeeze %parallel_loop3A_730 : memref<1x1x32xf32, #tpu.memory_space<hbm>> -> memref<32xf32, #tpu.memory_space<hbm>>
        %parallel_loop3A_732 = arith.constant 0 : i32
        %parallel_loop3A_733 = tpu.memref_slice %arg6[%parallel_loop3A_16, %parallel_loop3A_725, %parallel_loop3A_732] : memref<8x26x32xf32, #tpu.memory_space<vmem>> -> memref<1x1x32xf32, #tpu.memory_space<vmem>>
        %parallel_loop3A_734 = tpu.memref_squeeze %parallel_loop3A_733 : memref<1x1x32xf32, #tpu.memory_space<vmem>> -> memref<32xf32, #tpu.memory_space<vmem>>
        %parallel_loop3A_735 = arith.constant 0 : i32
        %parallel_loop3A_736 = tpu.memref_slice %arg3[%parallel_loop3A_724, %parallel_loop3A_323, %parallel_loop3A_735] : memref<26x100001x32xf32, #tpu.memory_space<hbm>> -> memref<1x1x32xf32, #tpu.memory_space<hbm>>
        %parallel_loop3A_737 = tpu.memref_squeeze %parallel_loop3A_736 : memref<1x1x32xf32, #tpu.memory_space<hbm>> -> memref<32xf32, #tpu.memory_space<hbm>>
        tpu.wait_dma2 semaphore(%arg7 : memref<!tpu.dma_semaphore, #tpu.memory_space<semaphore_mem>>) src(%parallel_loop3A_737 : memref<32xf32, #tpu.memory_space<hbm>>) dst(%parallel_loop3A_734 : memref<32xf32, #tpu.memory_space<vmem>>)
        %parallel_loop3A_738 = arith.constant 17 : i32
        %parallel_loop3A_739 = arith.constant 17 : i32
        %parallel_loop3A_740 = arith.constant 0 : i32
        %parallel_loop3A_741 = tpu.memref_slice %arg6[%parallel_loop3A_16, %parallel_loop3A_739, %parallel_loop3A_740] : memref<8x26x32xf32, #tpu.memory_space<vmem>> -> memref<1x1x32xf32, #tpu.memory_space<vmem>>
        %parallel_loop3A_742 = tpu.memref_squeeze %parallel_loop3A_741 : memref<1x1x32xf32, #tpu.memory_space<vmem>> -> memref<32xf32, #tpu.memory_space<vmem>>
        %parallel_loop3A_743 = arith.constant 0 : i32
        %parallel_loop3A_744 = tpu.memref_slice %arg3[%parallel_loop3A_738, %parallel_loop3A_341, %parallel_loop3A_743] : memref<26x100001x32xf32, #tpu.memory_space<hbm>> -> memref<1x1x32xf32, #tpu.memory_space<hbm>>
        %parallel_loop3A_745 = tpu.memref_squeeze %parallel_loop3A_744 : memref<1x1x32xf32, #tpu.memory_space<hbm>> -> memref<32xf32, #tpu.memory_space<hbm>>
        %parallel_loop3A_746 = arith.constant 0 : i32
        %parallel_loop3A_747 = tpu.memref_slice %arg6[%parallel_loop3A_16, %parallel_loop3A_739, %parallel_loop3A_746] : memref<8x26x32xf32, #tpu.memory_space<vmem>> -> memref<1x1x32xf32, #tpu.memory_space<vmem>>
        %parallel_loop3A_748 = tpu.memref_squeeze %parallel_loop3A_747 : memref<1x1x32xf32, #tpu.memory_space<vmem>> -> memref<32xf32, #tpu.memory_space<vmem>>
        %parallel_loop3A_749 = arith.constant 0 : i32
        %parallel_loop3A_750 = tpu.memref_slice %arg3[%parallel_loop3A_738, %parallel_loop3A_341, %parallel_loop3A_749] : memref<26x100001x32xf32, #tpu.memory_space<hbm>> -> memref<1x1x32xf32, #tpu.memory_space<hbm>>
        %parallel_loop3A_751 = tpu.memref_squeeze %parallel_loop3A_750 : memref<1x1x32xf32, #tpu.memory_space<hbm>> -> memref<32xf32, #tpu.memory_space<hbm>>
        tpu.wait_dma2 semaphore(%arg7 : memref<!tpu.dma_semaphore, #tpu.memory_space<semaphore_mem>>) src(%parallel_loop3A_751 : memref<32xf32, #tpu.memory_space<hbm>>) dst(%parallel_loop3A_748 : memref<32xf32, #tpu.memory_space<vmem>>)
        %parallel_loop3A_752 = arith.constant 18 : i32
        %parallel_loop3A_753 = arith.constant 18 : i32
        %parallel_loop3A_754 = arith.constant 0 : i32
        %parallel_loop3A_755 = tpu.memref_slice %arg6[%parallel_loop3A_16, %parallel_loop3A_753, %parallel_loop3A_754] : memref<8x26x32xf32, #tpu.memory_space<vmem>> -> memref<1x1x32xf32, #tpu.memory_space<vmem>>
        %parallel_loop3A_756 = tpu.memref_squeeze %parallel_loop3A_755 : memref<1x1x32xf32, #tpu.memory_space<vmem>> -> memref<32xf32, #tpu.memory_space<vmem>>
        %parallel_loop3A_757 = arith.constant 0 : i32
        %parallel_loop3A_758 = tpu.memref_slice %arg3[%parallel_loop3A_752, %parallel_loop3A_359, %parallel_loop3A_757] : memref<26x100001x32xf32, #tpu.memory_space<hbm>> -> memref<1x1x32xf32, #tpu.memory_space<hbm>>
        %parallel_loop3A_759 = tpu.memref_squeeze %parallel_loop3A_758 : memref<1x1x32xf32, #tpu.memory_space<hbm>> -> memref<32xf32, #tpu.memory_space<hbm>>
        %parallel_loop3A_760 = arith.constant 0 : i32
        %parallel_loop3A_761 = tpu.memref_slice %arg6[%parallel_loop3A_16, %parallel_loop3A_753, %parallel_loop3A_760] : memref<8x26x32xf32, #tpu.memory_space<vmem>> -> memref<1x1x32xf32, #tpu.memory_space<vmem>>
        %parallel_loop3A_762 = tpu.memref_squeeze %parallel_loop3A_761 : memref<1x1x32xf32, #tpu.memory_space<vmem>> -> memref<32xf32, #tpu.memory_space<vmem>>
        %parallel_loop3A_763 = arith.constant 0 : i32
        %parallel_loop3A_764 = tpu.memref_slice %arg3[%parallel_loop3A_752, %parallel_loop3A_359, %parallel_loop3A_763] : memref<26x100001x32xf32, #tpu.memory_space<hbm>> -> memref<1x1x32xf32, #tpu.memory_space<hbm>>
        %parallel_loop3A_765 = tpu.memref_squeeze %parallel_loop3A_764 : memref<1x1x32xf32, #tpu.memory_space<hbm>> -> memref<32xf32, #tpu.memory_space<hbm>>
        tpu.wait_dma2 semaphore(%arg7 : memref<!tpu.dma_semaphore, #tpu.memory_space<semaphore_mem>>) src(%parallel_loop3A_765 : memref<32xf32, #tpu.memory_space<hbm>>) dst(%parallel_loop3A_762 : memref<32xf32, #tpu.memory_space<vmem>>)
        %parallel_loop3A_766 = arith.constant 19 : i32
        %parallel_loop3A_767 = arith.constant 19 : i32
        %parallel_loop3A_768 = arith.constant 0 : i32
        %parallel_loop3A_769 = tpu.memref_slice %arg6[%parallel_loop3A_16, %parallel_loop3A_767, %parallel_loop3A_768] : memref<8x26x32xf32, #tpu.memory_space<vmem>> -> memref<1x1x32xf32, #tpu.memory_space<vmem>>
        %parallel_loop3A_770 = tpu.memref_squeeze %parallel_loop3A_769 : memref<1x1x32xf32, #tpu.memory_space<vmem>> -> memref<32xf32, #tpu.memory_space<vmem>>
        %parallel_loop3A_771 = arith.constant 0 : i32
        %parallel_loop3A_772 = tpu.memref_slice %arg3[%parallel_loop3A_766, %parallel_loop3A_377, %parallel_loop3A_771] : memref<26x100001x32xf32, #tpu.memory_space<hbm>> -> memref<1x1x32xf32, #tpu.memory_space<hbm>>
        %parallel_loop3A_773 = tpu.memref_squeeze %parallel_loop3A_772 : memref<1x1x32xf32, #tpu.memory_space<hbm>> -> memref<32xf32, #tpu.memory_space<hbm>>
        %parallel_loop3A_774 = arith.constant 0 : i32
        %parallel_loop3A_775 = tpu.memref_slice %arg6[%parallel_loop3A_16, %parallel_loop3A_767, %parallel_loop3A_774] : memref<8x26x32xf32, #tpu.memory_space<vmem>> -> memref<1x1x32xf32, #tpu.memory_space<vmem>>
        %parallel_loop3A_776 = tpu.memref_squeeze %parallel_loop3A_775 : memref<1x1x32xf32, #tpu.memory_space<vmem>> -> memref<32xf32, #tpu.memory_space<vmem>>
        %parallel_loop3A_777 = arith.constant 0 : i32
        %parallel_loop3A_778 = tpu.memref_slice %arg3[%parallel_loop3A_766, %parallel_loop3A_377, %parallel_loop3A_777] : memref<26x100001x32xf32, #tpu.memory_space<hbm>> -> memref<1x1x32xf32, #tpu.memory_space<hbm>>
        %parallel_loop3A_779 = tpu.memref_squeeze %parallel_loop3A_778 : memref<1x1x32xf32, #tpu.memory_space<hbm>> -> memref<32xf32, #tpu.memory_space<hbm>>
        tpu.wait_dma2 semaphore(%arg7 : memref<!tpu.dma_semaphore, #tpu.memory_space<semaphore_mem>>) src(%parallel_loop3A_779 : memref<32xf32, #tpu.memory_space<hbm>>) dst(%parallel_loop3A_776 : memref<32xf32, #tpu.memory_space<vmem>>)
        %parallel_loop3A_780 = arith.constant 20 : i32
        %parallel_loop3A_781 = arith.constant 20 : i32
        %parallel_loop3A_782 = arith.constant 0 : i32
        %parallel_loop3A_783 = tpu.memref_slice %arg6[%parallel_loop3A_16, %parallel_loop3A_781, %parallel_loop3A_782] : memref<8x26x32xf32, #tpu.memory_space<vmem>> -> memref<1x1x32xf32, #tpu.memory_space<vmem>>
        %parallel_loop3A_784 = tpu.memref_squeeze %parallel_loop3A_783 : memref<1x1x32xf32, #tpu.memory_space<vmem>> -> memref<32xf32, #tpu.memory_space<vmem>>
        %parallel_loop3A_785 = arith.constant 0 : i32
        %parallel_loop3A_786 = tpu.memref_slice %arg3[%parallel_loop3A_780, %parallel_loop3A_395, %parallel_loop3A_785] : memref<26x100001x32xf32, #tpu.memory_space<hbm>> -> memref<1x1x32xf32, #tpu.memory_space<hbm>>
        %parallel_loop3A_787 = tpu.memref_squeeze %parallel_loop3A_786 : memref<1x1x32xf32, #tpu.memory_space<hbm>> -> memref<32xf32, #tpu.memory_space<hbm>>
        %parallel_loop3A_788 = arith.constant 0 : i32
        %parallel_loop3A_789 = tpu.memref_slice %arg6[%parallel_loop3A_16, %parallel_loop3A_781, %parallel_loop3A_788] : memref<8x26x32xf32, #tpu.memory_space<vmem>> -> memref<1x1x32xf32, #tpu.memory_space<vmem>>
        %parallel_loop3A_790 = tpu.memref_squeeze %parallel_loop3A_789 : memref<1x1x32xf32, #tpu.memory_space<vmem>> -> memref<32xf32, #tpu.memory_space<vmem>>
        %parallel_loop3A_791 = arith.constant 0 : i32
        %parallel_loop3A_792 = tpu.memref_slice %arg3[%parallel_loop3A_780, %parallel_loop3A_395, %parallel_loop3A_791] : memref<26x100001x32xf32, #tpu.memory_space<hbm>> -> memref<1x1x32xf32, #tpu.memory_space<hbm>>
        %parallel_loop3A_793 = tpu.memref_squeeze %parallel_loop3A_792 : memref<1x1x32xf32, #tpu.memory_space<hbm>> -> memref<32xf32, #tpu.memory_space<hbm>>
        tpu.wait_dma2 semaphore(%arg7 : memref<!tpu.dma_semaphore, #tpu.memory_space<semaphore_mem>>) src(%parallel_loop3A_793 : memref<32xf32, #tpu.memory_space<hbm>>) dst(%parallel_loop3A_790 : memref<32xf32, #tpu.memory_space<vmem>>)
        %parallel_loop3A_794 = arith.constant 21 : i32
        %parallel_loop3A_795 = arith.constant 21 : i32
        %parallel_loop3A_796 = arith.constant 0 : i32
        %parallel_loop3A_797 = tpu.memref_slice %arg6[%parallel_loop3A_16, %parallel_loop3A_795, %parallel_loop3A_796] : memref<8x26x32xf32, #tpu.memory_space<vmem>> -> memref<1x1x32xf32, #tpu.memory_space<vmem>>
        %parallel_loop3A_798 = tpu.memref_squeeze %parallel_loop3A_797 : memref<1x1x32xf32, #tpu.memory_space<vmem>> -> memref<32xf32, #tpu.memory_space<vmem>>
        %parallel_loop3A_799 = arith.constant 0 : i32
        %parallel_loop3A_800 = tpu.memref_slice %arg3[%parallel_loop3A_794, %parallel_loop3A_413, %parallel_loop3A_799] : memref<26x100001x32xf32, #tpu.memory_space<hbm>> -> memref<1x1x32xf32, #tpu.memory_space<hbm>>
        %parallel_loop3A_801 = tpu.memref_squeeze %parallel_loop3A_800 : memref<1x1x32xf32, #tpu.memory_space<hbm>> -> memref<32xf32, #tpu.memory_space<hbm>>
        %parallel_loop3A_802 = arith.constant 0 : i32
        %parallel_loop3A_803 = tpu.memref_slice %arg6[%parallel_loop3A_16, %parallel_loop3A_795, %parallel_loop3A_802] : memref<8x26x32xf32, #tpu.memory_space<vmem>> -> memref<1x1x32xf32, #tpu.memory_space<vmem>>
        %parallel_loop3A_804 = tpu.memref_squeeze %parallel_loop3A_803 : memref<1x1x32xf32, #tpu.memory_space<vmem>> -> memref<32xf32, #tpu.memory_space<vmem>>
        %parallel_loop3A_805 = arith.constant 0 : i32
        %parallel_loop3A_806 = tpu.memref_slice %arg3[%parallel_loop3A_794, %parallel_loop3A_413, %parallel_loop3A_805] : memref<26x100001x32xf32, #tpu.memory_space<hbm>> -> memref<1x1x32xf32, #tpu.memory_space<hbm>>
        %parallel_loop3A_807 = tpu.memref_squeeze %parallel_loop3A_806 : memref<1x1x32xf32, #tpu.memory_space<hbm>> -> memref<32xf32, #tpu.memory_space<hbm>>
        tpu.wait_dma2 semaphore(%arg7 : memref<!tpu.dma_semaphore, #tpu.memory_space<semaphore_mem>>) src(%parallel_loop3A_807 : memref<32xf32, #tpu.memory_space<hbm>>) dst(%parallel_loop3A_804 : memref<32xf32, #tpu.memory_space<vmem>>)
        %parallel_loop3A_808 = arith.constant 22 : i32
        %parallel_loop3A_809 = arith.constant 22 : i32
        %parallel_loop3A_810 = arith.constant 0 : i32
        %parallel_loop3A_811 = tpu.memref_slice %arg6[%parallel_loop3A_16, %parallel_loop3A_809, %parallel_loop3A_810] : memref<8x26x32xf32, #tpu.memory_space<vmem>> -> memref<1x1x32xf32, #tpu.memory_space<vmem>>
        %parallel_loop3A_812 = tpu.memref_squeeze %parallel_loop3A_811 : memref<1x1x32xf32, #tpu.memory_space<vmem>> -> memref<32xf32, #tpu.memory_space<vmem>>
        %parallel_loop3A_813 = arith.constant 0 : i32
        %parallel_loop3A_814 = tpu.memref_slice %arg3[%parallel_loop3A_808, %parallel_loop3A_431, %parallel_loop3A_813] : memref<26x100001x32xf32, #tpu.memory_space<hbm>> -> memref<1x1x32xf32, #tpu.memory_space<hbm>>
        %parallel_loop3A_815 = tpu.memref_squeeze %parallel_loop3A_814 : memref<1x1x32xf32, #tpu.memory_space<hbm>> -> memref<32xf32, #tpu.memory_space<hbm>>
        %parallel_loop3A_816 = arith.constant 0 : i32
        %parallel_loop3A_817 = tpu.memref_slice %arg6[%parallel_loop3A_16, %parallel_loop3A_809, %parallel_loop3A_816] : memref<8x26x32xf32, #tpu.memory_space<vmem>> -> memref<1x1x32xf32, #tpu.memory_space<vmem>>
        %parallel_loop3A_818 = tpu.memref_squeeze %parallel_loop3A_817 : memref<1x1x32xf32, #tpu.memory_space<vmem>> -> memref<32xf32, #tpu.memory_space<vmem>>
        %parallel_loop3A_819 = arith.constant 0 : i32
        %parallel_loop3A_820 = tpu.memref_slice %arg3[%parallel_loop3A_808, %parallel_loop3A_431, %parallel_loop3A_819] : memref<26x100001x32xf32, #tpu.memory_space<hbm>> -> memref<1x1x32xf32, #tpu.memory_space<hbm>>
        %parallel_loop3A_821 = tpu.memref_squeeze %parallel_loop3A_820 : memref<1x1x32xf32, #tpu.memory_space<hbm>> -> memref<32xf32, #tpu.memory_space<hbm>>
        tpu.wait_dma2 semaphore(%arg7 : memref<!tpu.dma_semaphore, #tpu.memory_space<semaphore_mem>>) src(%parallel_loop3A_821 : memref<32xf32, #tpu.memory_space<hbm>>) dst(%parallel_loop3A_818 : memref<32xf32, #tpu.memory_space<vmem>>)
        %parallel_loop3A_822 = arith.constant 23 : i32
        %parallel_loop3A_823 = arith.constant 23 : i32
        %parallel_loop3A_824 = arith.constant 0 : i32
        %parallel_loop3A_825 = tpu.memref_slice %arg6[%parallel_loop3A_16, %parallel_loop3A_823, %parallel_loop3A_824] : memref<8x26x32xf32, #tpu.memory_space<vmem>> -> memref<1x1x32xf32, #tpu.memory_space<vmem>>
        %parallel_loop3A_826 = tpu.memref_squeeze %parallel_loop3A_825 : memref<1x1x32xf32, #tpu.memory_space<vmem>> -> memref<32xf32, #tpu.memory_space<vmem>>
        %parallel_loop3A_827 = arith.constant 0 : i32
        %parallel_loop3A_828 = tpu.memref_slice %arg3[%parallel_loop3A_822, %parallel_loop3A_449, %parallel_loop3A_827] : memref<26x100001x32xf32, #tpu.memory_space<hbm>> -> memref<1x1x32xf32, #tpu.memory_space<hbm>>
        %parallel_loop3A_829 = tpu.memref_squeeze %parallel_loop3A_828 : memref<1x1x32xf32, #tpu.memory_space<hbm>> -> memref<32xf32, #tpu.memory_space<hbm>>
        %parallel_loop3A_830 = arith.constant 0 : i32
        %parallel_loop3A_831 = tpu.memref_slice %arg6[%parallel_loop3A_16, %parallel_loop3A_823, %parallel_loop3A_830] : memref<8x26x32xf32, #tpu.memory_space<vmem>> -> memref<1x1x32xf32, #tpu.memory_space<vmem>>
        %parallel_loop3A_832 = tpu.memref_squeeze %parallel_loop3A_831 : memref<1x1x32xf32, #tpu.memory_space<vmem>> -> memref<32xf32, #tpu.memory_space<vmem>>
        %parallel_loop3A_833 = arith.constant 0 : i32
        %parallel_loop3A_834 = tpu.memref_slice %arg3[%parallel_loop3A_822, %parallel_loop3A_449, %parallel_loop3A_833] : memref<26x100001x32xf32, #tpu.memory_space<hbm>> -> memref<1x1x32xf32, #tpu.memory_space<hbm>>
        %parallel_loop3A_835 = tpu.memref_squeeze %parallel_loop3A_834 : memref<1x1x32xf32, #tpu.memory_space<hbm>> -> memref<32xf32, #tpu.memory_space<hbm>>
        tpu.wait_dma2 semaphore(%arg7 : memref<!tpu.dma_semaphore, #tpu.memory_space<semaphore_mem>>) src(%parallel_loop3A_835 : memref<32xf32, #tpu.memory_space<hbm>>) dst(%parallel_loop3A_832 : memref<32xf32, #tpu.memory_space<vmem>>)
        %parallel_loop3A_836 = arith.constant 24 : i32
        %parallel_loop3A_837 = arith.constant 24 : i32
        %parallel_loop3A_838 = arith.constant 0 : i32
        %parallel_loop3A_839 = tpu.memref_slice %arg6[%parallel_loop3A_16, %parallel_loop3A_837, %parallel_loop3A_838] : memref<8x26x32xf32, #tpu.memory_space<vmem>> -> memref<1x1x32xf32, #tpu.memory_space<vmem>>
        %parallel_loop3A_840 = tpu.memref_squeeze %parallel_loop3A_839 : memref<1x1x32xf32, #tpu.memory_space<vmem>> -> memref<32xf32, #tpu.memory_space<vmem>>
        %parallel_loop3A_841 = arith.constant 0 : i32
        %parallel_loop3A_842 = tpu.memref_slice %arg3[%parallel_loop3A_836, %parallel_loop3A_467, %parallel_loop3A_841] : memref<26x100001x32xf32, #tpu.memory_space<hbm>> -> memref<1x1x32xf32, #tpu.memory_space<hbm>>
        %parallel_loop3A_843 = tpu.memref_squeeze %parallel_loop3A_842 : memref<1x1x32xf32, #tpu.memory_space<hbm>> -> memref<32xf32, #tpu.memory_space<hbm>>
        %parallel_loop3A_844 = arith.constant 0 : i32
        %parallel_loop3A_845 = tpu.memref_slice %arg6[%parallel_loop3A_16, %parallel_loop3A_837, %parallel_loop3A_844] : memref<8x26x32xf32, #tpu.memory_space<vmem>> -> memref<1x1x32xf32, #tpu.memory_space<vmem>>
        %parallel_loop3A_846 = tpu.memref_squeeze %parallel_loop3A_845 : memref<1x1x32xf32, #tpu.memory_space<vmem>> -> memref<32xf32, #tpu.memory_space<vmem>>
        %parallel_loop3A_847 = arith.constant 0 : i32
        %parallel_loop3A_848 = tpu.memref_slice %arg3[%parallel_loop3A_836, %parallel_loop3A_467, %parallel_loop3A_847] : memref<26x100001x32xf32, #tpu.memory_space<hbm>> -> memref<1x1x32xf32, #tpu.memory_space<hbm>>
        %parallel_loop3A_849 = tpu.memref_squeeze %parallel_loop3A_848 : memref<1x1x32xf32, #tpu.memory_space<hbm>> -> memref<32xf32, #tpu.memory_space<hbm>>
        tpu.wait_dma2 semaphore(%arg7 : memref<!tpu.dma_semaphore, #tpu.memory_space<semaphore_mem>>) src(%parallel_loop3A_849 : memref<32xf32, #tpu.memory_space<hbm>>) dst(%parallel_loop3A_846 : memref<32xf32, #tpu.memory_space<vmem>>)
        %parallel_loop3A_850 = arith.constant 25 : i32
        %parallel_loop3A_851 = arith.constant 25 : i32
        %parallel_loop3A_852 = arith.constant 0 : i32
        %parallel_loop3A_853 = tpu.memref_slice %arg6[%parallel_loop3A_16, %parallel_loop3A_851, %parallel_loop3A_852] : memref<8x26x32xf32, #tpu.memory_space<vmem>> -> memref<1x1x32xf32, #tpu.memory_space<vmem>>
        %parallel_loop3A_854 = tpu.memref_squeeze %parallel_loop3A_853 : memref<1x1x32xf32, #tpu.memory_space<vmem>> -> memref<32xf32, #tpu.memory_space<vmem>>
        %parallel_loop3A_855 = arith.constant 0 : i32
        %parallel_loop3A_856 = tpu.memref_slice %arg3[%parallel_loop3A_850, %parallel_loop3A_485, %parallel_loop3A_855] : memref<26x100001x32xf32, #tpu.memory_space<hbm>> -> memref<1x1x32xf32, #tpu.memory_space<hbm>>
        %parallel_loop3A_857 = tpu.memref_squeeze %parallel_loop3A_856 : memref<1x1x32xf32, #tpu.memory_space<hbm>> -> memref<32xf32, #tpu.memory_space<hbm>>
        %parallel_loop3A_858 = arith.constant 0 : i32
        %parallel_loop3A_859 = tpu.memref_slice %arg6[%parallel_loop3A_16, %parallel_loop3A_851, %parallel_loop3A_858] : memref<8x26x32xf32, #tpu.memory_space<vmem>> -> memref<1x1x32xf32, #tpu.memory_space<vmem>>
        %parallel_loop3A_860 = tpu.memref_squeeze %parallel_loop3A_859 : memref<1x1x32xf32, #tpu.memory_space<vmem>> -> memref<32xf32, #tpu.memory_space<vmem>>
        %parallel_loop3A_861 = arith.constant 0 : i32
        %parallel_loop3A_862 = tpu.memref_slice %arg3[%parallel_loop3A_850, %parallel_loop3A_485, %parallel_loop3A_861] : memref<26x100001x32xf32, #tpu.memory_space<hbm>> -> memref<1x1x32xf32, #tpu.memory_space<hbm>>
        %parallel_loop3A_863 = tpu.memref_squeeze %parallel_loop3A_862 : memref<1x1x32xf32, #tpu.memory_space<hbm>> -> memref<32xf32, #tpu.memory_space<hbm>>
        tpu.wait_dma2 semaphore(%arg7 : memref<!tpu.dma_semaphore, #tpu.memory_space<semaphore_mem>>) src(%parallel_loop3A_863 : memref<32xf32, #tpu.memory_space<hbm>>) dst(%parallel_loop3A_860 : memref<32xf32, #tpu.memory_space<vmem>>)
      } {sc.loop_unroll_factor = 4 : i64, sc.parallel_access}
      %mul3A_13 = arith.constant 8 : i32
      %mul3A_14 = arith.muli %scan3A_10, %mul3A_13 : i32
      %add3A_15 = arith.addi %mul3A_2, %mul3A_14 : i32
      "tpu.region"() ({
        %run_scoped3A = tpu.sem_alloc : memref<!tpu.dma_semaphore, #tpu.memory_space<semaphore_mem>>
        %dma_start3A = arith.constant 0 : i32
        %dma_start3A_16 = arith.constant 0 : i32
        %dma_start3A_17 = tpu.memref_slice %arg4[%add3A_15, %dma_start3A, %dma_start3A_16] : memref<16384x26x32xf32, #tpu.memory_space<hbm>> -> memref<8x26x32xf32, #tpu.memory_space<hbm>>
        %dma_start3A_18 = arith.constant 0 : i32
        %dma_start3A_19 = arith.constant 0 : i32
        %dma_start3A_20 = tpu.memref_slice %arg4[%add3A_15, %dma_start3A_18, %dma_start3A_19] : memref<16384x26x32xf32, #tpu.memory_space<hbm>> -> memref<8x26x32xf32, #tpu.memory_space<hbm>>
        tpu.enqueue_dma source(%arg6 : memref<8x26x32xf32, #tpu.memory_space<vmem>>) target(%dma_start3A_20 : memref<8x26x32xf32, #tpu.memory_space<hbm>>) target_semaphore(%run_scoped3A : memref<!tpu.dma_semaphore, #tpu.memory_space<semaphore_mem>>)
        %dma_wait3A = arith.constant 0 : i32
        %dma_wait3A_21 = arith.constant 0 : i32
        %dma_wait3A_22 = tpu.memref_slice %arg4[%add3A_15, %dma_wait3A, %dma_wait3A_21] : memref<16384x26x32xf32, #tpu.memory_space<hbm>> -> memref<8x26x32xf32, #tpu.memory_space<hbm>>
        %dma_wait3A_23 = arith.constant 0 : i32
        %dma_wait3A_24 = arith.constant 0 : i32
        %dma_wait3A_25 = tpu.memref_slice %arg4[%add3A_15, %dma_wait3A_23, %dma_wait3A_24] : memref<16384x26x32xf32, #tpu.memory_space<hbm>> -> memref<8x26x32xf32, #tpu.memory_space<hbm>>
        tpu.wait_dma2 semaphore(%run_scoped3A : memref<!tpu.dma_semaphore, #tpu.memory_space<semaphore_mem>>) src(%arg6 : memref<8x26x32xf32, #tpu.memory_space<vmem>>) dst(%dma_wait3A_25 : memref<8x26x32xf32, #tpu.memory_space<hbm>>)
        tpu.yield
      }) : () -> ()
    }
    %scan3A_9 = arith.constant 64 : i32
    return
  }
}

</mosaic_0001>

<sc_bundles>
// kernel: kernel.3.cloned.1.call-start
scs
__scs_entry_jumppad:
0x0: {  	(pc) =	sbr.rel $0x88, $3  }
0x1: {  	(tag) =	ssettag $0x0;
	lr =	simm.s32 $0x1  }
0x2: {  	[smem:$0x3F9F] =	sst lr;
	_ =	strace $0xD0000000  }
0x3: {  	_ = 	snop  }
0x4: {  	_ = 	snop  }
0x5: {  	_ = 	snop  }
0x6: {  	_ = 	snop  }
0x7: {  	_ = 	snop  }
__scs_overlays_trampoline_lowered:
0x8: {  	[smem:$0x3FAE] =	sst s0  }
0x9: {  	[smem:$0x3FAF] =	sst s1  }
0xa: {  	[smem:$0x3FB0] =	sst s2  }
0xb: {  	[smem:$0x3FB1] =	sst s3  }
0xc: {  	[smem:$0x3FB2] =	sst s4  }
0xd: {  	[smem:$0x3FB3] =	sst s5  }
0xe: {  	[smem:$0x3FB4] =	sst s6  }
0xf: {  	[smem:$0x3FB5] =	sst s7  }
0x10: {  	[smem:$0x3FB6] =	sst s8  }
0x11: {  	[smem:$0x3FB7] =	sst s9;
	s0 =	simm.s32 @!p0 $0x0  }
0x12: {  	s1 =	sld [smem:$0x3F9D];
	s0 =	simm.s32 @p0 $0x1  }
0x13: {  	[smem:$0x3FB8] =	sst s0;
	s0 =	simm.s32 @!p1 $0x0  }
0x14: {  	s2 =	sld [smem:$0x3F9C];
	s0 =	simm.s32 @p1 $0x1  }
0x15: {  	[smem:$0x3FB9] =	sst s0;
	s0 =	simm.s32 @!p2 $0x0  }
0x16: {  	s3 =	sld [smem:$0x3FDB];
	s0 =	simm.s32 @p2 $0x1  }
0x17: {  	s4 =	simm.s32 $0x1BF5;
	[smem:$0x3FBB] =	sst s0  }
0x18: {  	s0 =	sld [smem:$0x3F9E];
	_ =	swait.ge [sflag:s4], $0x0  }
0x19: {  	s7 =	sld [smem:$0x3F9F]  }
0x1a: {  	s8 =	sadd.s32 $0xFFFFE003, lr  }
0x1b: {  	s9 =	sadd.s32 $0xFFFFFEF7, lr;
	s5 =	simm.s32 $0xFFFFFFFF;
	p2 =	slt.u32 s8, $0xFFFFF086  }
0x1c: {  	p1 =	slt.u32 s9, $0xF7A;
	s5 =	simm.s32 @!p2 $0x0  }
0x1d: {  	s5 =	simm.s32 @p1 $0x1;
	p0 =	seq.s32 s7, s2  }
0x1e: {  	s7 =	smul.u32 @!p0 $0xF7A, s2;
	p2 =	seq.s32 @!p0 s5, $0x0  }
0x1f: {  	s9 =	smul.u32 $0xF7A, s1;
	s8 =	simm.s32 @!p0 $0x1BF5;
	p2 =	por !p2, p0  }
0x20: {  	[sflag:s8] =	ssyncset.s32 @!p0 $0xFFFFF086;
	s6 =	sadd.s32 @!p0 s3, s7;
	s7 =	simm.s32 @!p0 $0x108  }
0x21: {  	s3 =	sadd.s32 s3, s9;
	s6 =	sadd.s32 @!p0 $0x88, s6;
	s7 =	simm.s32 @p2 $0x1082  }
0x22: {  	[simem:s7], [sflag:s8] =	dma.local @!p0 [hbm:s6], $0xF7A  }
0x23: {  	s9 =	sor.u32 $0xD0000000, s2;
	s6 =	simm.s32 $0x108;
	_ =	swait.ge @!p0 [sflag:s8], $0x0  }
0x24: {  	s3 =	sadd.s32 $0x88, s3;
	s6 =	simm.s32 @!p1 $0x1082;
	[sflag:s4] =	ssyncset.s32 $0xFFFFF086  }
0x25: {  	[simem:s6], [sflag:s4] =	dma.local [hbm:s3], $0xF7A  }
0x26: {  	[smem:$0x3F9F] =	sst s1;
	(tag) =	ssettag s2;
	_ =	strace s9  }
0x27: {  	s1 =	sld [smem:$0x3FAF]  }
0x28: {  	s2 =	sld [smem:$0x3FB0]  }
0x29: {  	s4 =	sld [smem:$0x3FB2]  }
0x2a: {  	p0 =	seq.s32 s5, $0x0;
	s5 =	sld [smem:$0x3FB3]  }
0x2b: {  	s6 =	sld [smem:$0x3FB4]  }
0x2c: {  	s7 =	sld [smem:$0x3FB5]  }
0x2d: {  	s3 =	simm.s32 $0x108;
	s8 =	sld [smem:$0x3FB6]  }
0x2e: {  	s3 =	simm.s32 @!p0 $0x1082;
	s9 =	sld [smem:$0x3FB7]  }
0x2f: {  	lr =	sadd.s32 s0, s3;
	s0 =	sld [smem:$0x3FAE]  }
0x30: {  	s3 =	sld [smem:$0x3FB1]  }
0x31: {  	[smem:$0x3FBA] =	sst s10  }
0x32: {  	s10 =	sld [smem:$0x3FB8];
	_ =	sdelay $0x3  }
0x33: {  	p0 =	seq.s32 s10, $0x1;
	s10 =	sld [smem:$0x3FBA];
	_ =	sdelay $0x3  }
0x34: {  	[smem:$0x3FBA] =	sst s10  }
0x35: {  	s10 =	sld [smem:$0x3FB9];
	_ =	sdelay $0x3  }
0x36: {  	p1 =	seq.s32 s10, $0x1;
	s10 =	sld [smem:$0x3FBA];
	_ =	sdelay $0x3  }
0x37: {  	[smem:$0x3FBA] =	sst s10  }
0x38: {  	s10 =	sld [smem:$0x3FBB]  }
0x39: {  	_ = 	snop;
	(pc) =	sbr.ind lr, $3  }
0x3a: {  	_ = 	snop  }
0x3b: {  	_ = 	snop  }
0x3c: {  	p2 =	seq.s32 s10, $0x1;
	s10 =	sld [smem:$0x3FBA]  }
0x3d: {  	_ =	shalt  }
0x3e: {  	_ =	shalt  }
0x3f: {  	_ =	shalt  }
0x40: {  	_ =	shalt  }
0x41: {  	_ =	shalt  }
0x42: {  	_ =	shalt  }
0x43: {  	_ =	shalt  }
0x44: {  	_ =	shalt  }
0x45: {  	_ =	shalt  }
0x46: {  	_ =	shalt  }
0x47: {  	_ =	shalt  }
0x48: {  	_ =	shalt  }
0x49: {  	_ =	shalt  }
0x4a: {  	_ =	shalt  }
0x4b: {  	_ =	shalt  }
0x4c: {  	_ =	shalt  }
0x4d: {  	_ =	shalt  }
0x4e: {  	_ =	shalt  }
0x4f: {  	_ =	shalt  }
0x50: {  	_ =	shalt  }
0x51: {  	_ =	shalt  }
0x52: {  	_ =	shalt  }
0x53: {  	_ =	shalt  }
0x54: {  	_ =	shalt  }
0x55: {  	_ =	shalt  }
0x56: {  	_ =	shalt  }
0x57: {  	_ =	shalt  }
0x58: {  	_ =	shalt  }
0x59: {  	_ =	shalt  }
0x5a: {  	_ =	shalt  }
0x5b: {  	_ =	shalt  }
0x5c: {  	_ =	shalt  }
0x5d: {  	_ =	shalt  }
0x5e: {  	_ =	shalt  }
0x5f: {  	_ =	shalt  }
0x60: {  	_ =	shalt  }
0x61: {  	_ =	shalt  }
0x62: {  	_ =	shalt  }
0x63: {  	_ =	shalt  }
0x64: {  	_ =	shalt  }
0x65: {  	_ =	shalt  }
0x66: {  	_ =	shalt  }
0x67: {  	_ =	shalt  }
0x68: {  	_ =	shalt  }
0x69: {  	_ =	shalt  }
0x6a: {  	_ =	shalt  }
0x6b: {  	_ =	shalt  }
0x6c: {  	_ =	shalt  }
0x6d: {  	_ =	shalt  }
0x6e: {  	_ =	shalt  }
0x6f: {  	_ =	shalt  }
0x70: {  	_ =	shalt  }
0x71: {  	_ =	shalt  }
0x72: {  	_ =	shalt  }
0x73: {  	_ =	shalt  }
0x74: {  	_ =	shalt  }
0x75: {  	_ =	shalt  }
0x76: {  	_ =	shalt  }
0x77: {  	_ =	shalt  }
0x78: {  	_ =	shalt  }
0x79: {  	_ =	shalt  }
0x7a: {  	_ =	shalt  }
0x7b: {  	_ =	shalt  }
0x7c: {  	_ =	shalt  }
0x7d: {  	_ =	shalt  }
0x7e: {  	_ =	shalt  }
0x7f: {  	_ =	shalt  }
0x80: {  	_ =	shalt  }
0x81: {  	_ =	shalt  }
0x82: {  	_ =	shalt  }
0x83: {  	_ =	shalt  }
0x84: {  	_ =	shalt  }
0x85: {  	_ =	shalt  }
0x86: {  	_ =	shalt  }
0x87: {  	_ =	shalt  }
.Lfunc_end0:
.L_simem_size_0:
called_computation_lowered:
.L_overlay_start_0:
0x88: {  	s2 =	sld [smem:$0x3FD9]  }
0x89: {  	s3 =	sld [smem:$0x3FFE];
	_ =	sdelay $0x1  }
0x8a: {  	s1 =	srdreg.scid  }
0x8b: {  	s0 =	sand.u32 $0x1, s1  }
0x8c: {  	s17 =	sshll.u32 s0, $0xA;
	s2 =	sadd.s32 s3, s2  }
0x8d: {  	s2 =	sadd.s32 s2, s17  }
0x8e: {  	[smem:$0x3FC6] =	sst s2  }
0x8f: {  	_ = 	snop  }
0x90: {  	s2 =	sld [smem:$0x3FD0];
	(tm) =	ssettm $0x1  }
0x91: {  	s18 =	sld [smem:$0x3FFB];
	_ =	sdelay $0x3  }
0x92: {  	_ =	strace s18  }
0x93: {  	s3 =	sld [smem:$0x3FFC];
	_ =	sdelay $0x3  }
0x94: {  	_ =	strace s3  }
0x95: {  	s3 =	sld [smem:$0x3FFD];
	_ =	sdelay $0x3  }
0x96: {  	_ =	strace s3  }
0x97: {  	_ =	strace $0x8FFFFFFF  }
0x98: {  	s19 =	sld [smem:$0x3FDB];
	_ =	sdelay $0x1  }
0x99: {  	s4 =	simm.s32 $_scs_section_size  }
0x9a: {  	s5 =	simm.s32 $_size__tile_overlayer_lowered;
	s6 =	simm.s32 $_tile_overlayer_lowered  }
0x9b: {  	s22 =	simm.s32 $0x1BFF;
	s21 =	sshll.u32 s6, $0x1;
	s3 =	sadd.s32 s4, s19  }
0x9c: {  	s7 =	simm.s32 $0x0;
	s20 =	sshll.u32 s5, $0x1;
	s5 =	sadd.s32 s21, s3  }
0x9d: {  	[timem:s7], [sflag:s22] =	dma.local [hbm:s5], s20  }
0x9e: {  	_ =	swait.ge [sflag:s22], s20  }
0x9f: {  	s4 =	ssub.s32 $0x0, s20;
	[sflag:s22] =	ssyncset.done $0x0  }
0xa0: {  	[sflag:s22] =	ssyncadd.s32 s4;
	_ =	sdelay $0x1  }
0xa1: {  	s23 =	simm.s32 $0x1B8B  }
0xa2: {  	_ =	swait.ge [sflag:s23], $0x1  }
0xa3: {  	[sflag:s23] =	ssyncset.done $0x0  }
0xa4: {  	s25 =	simm.s32 $0x1B8E;
	s24 =	sld [smem:$0x3FFE];
	[sflag:s23] =	ssyncadd.s32 $0xFFFFFFFF  }
0xa5: {  	s26 =	simm.s32 $execute0_lowered;
	[smem:$0x3FD2] =	sst s25  }
0xa6: {  	s5 =	sshll.u32 s26, $0x1;
	_ =	strace $0x80000046;
	[dreg:$0x1] =	wrdreg $0xFFFFFFFF  }
0xa7: {  	s28 =	simm.s32 $_size_execute0_lowered;
	s3 =	sadd.s32 s3, s5;
	[dreg:$0x0] =	wrdreg $0x0  }
0xa8: {  	s5 =	sshll.u32 s28, $0x1;
	[dreg:$0x2] =	wrdreg s3  }
0xa9: {  	[dreg:$0x3] =	wrdreg s5  }
0xaa: {  	[dreg:$0x4] =	wrdreg $0xC0  }
0xab: {  	_ =	task [dreg:s7], $0x5FFFF  }
0xac: {  	[dreg:$0x1] =	wrdreg $0xFFFFFFFF  }
0xad: {  	[dreg:$0x0] =	wrdreg $0x60  }
0xae: {  	[dreg:$0x2] =	wrdreg s2  }
0xaf: {  	[dreg:$0x3] =	wrdreg s24  }
0xb0: {  	[dreg:$0x4] =	wrdreg $0x9  }
0xb1: {  	_ =	task.clear_ibuf [dreg:s7], $0x5FFFF;
	_ =	strace $0x90000046  }
0xb2: {  	s29 =	simm.s32 $0x9;
	_ =	strace $0x80000048  }
0xb3: {  	_ =	swait.ge [sflag:s29], $0x1  }
0xb4: {  	[sflag:s29] =	ssyncadd.s32 $0xFFFFFFFF  }
0xb5: {  	_ =	strace $0x90000048  }
0xb6: {  	_ =	sfence  }
0xb7: {  	s30 =	sld [smem:$0x0];
	_ =	sdelay $0x2  }
0xb8: {  	s31 =	sshll.u32 s1, $0xD;
	s1 =	sshrl.u32 s1, $0x2  }
0xb9: {  	s3 =	sand.u32 $0x4000, s31;
	s1 =	sadd.s32 s1, s30  }
0xba: {  	s0 =	sor.u32 s3, s0;
	s1 =	sshll.u32 s1, $0x11  }
0xbb: {  	s0 =	sor.u32 s1, s0  }
0xbc: {  	s0 =	sadd.s32 $0x8F2B, s0  }
0xbd: {  	[sflag:s0] =	ssyncadd.remote.s32 $0x1  }
0xbe: {  	_ =	sfence.sel $0xFFFF  }
0xbf: {  	[dreg:$0x0] =	wrdreg $0xFFFFFFFF;
	(pc) =	sbr.abs _section_cstart, $3  }
0xc0: {  	[dreg:$0x1] =	wrdreg $0xFFFFFFFF  }
0xc1: {  	_ =	task.clear_ibuf [dreg:s7], $0x2FFFF;
	_ =	strace $0x9FFFFFFF  }
0xc2: {  	(tm) =	ssettm $0x7FFFFFFF  }
0xc3: {  	_ =	shalt  }
tec
execute0_lowered:
.L_overlay_start_1:
0x0: {  	(tag) =	ssettag $0x1  }
0x1: {  	s4 =	rddreg [dreg:$0x0]  }
0x2: {  	s5 =	rddreg [dreg:$0x1]  }
0x3: {  	s0 =	rddreg [dreg:$0x2];
	s2 =	simm.s32 $0x0;
	s3 =	srdreg.scid  }
0x4: {  	s1 =	stileid.u32;
	s9 =	simm.s32 $0x3400;
	s10 =	simm.s32 $0x4400  }
0x5: {  	s11 =	simm.s32 $0x5400;
	s12 =	simm.s32 $0x6400;
	s13 =	simm.s32 $0x7400  }
0x6: {  	s14 =	simm.s32 $0x8400;
	s15 =	simm.s32 $0x9400;
	s16 =	simm.s32 $0xA400  }
0x7: {  	[smem:$0x7FF] =	sst s2;
	s3 =	sand.u32 $0x1, s3;
	s6 =	sshll.u32 s1, $0x1  }
0x8: {  	s17 =	simm.s32 $0x0;
	_ =	strace $0x80000047;
	s6 =	sor.u32 s3, s6  }
0x9: {  	s8 =	ssub.s32 $0x2, s3;
	s7 =	sshll.u32 s6, $0x12;
	s6 =	smul.u32 $0x680, s6  }
0xa: {  	s3 =	sadd.s32 $0x400, s5;
	s31 =	sshrl.u32 s8, $0x1;
	s5 =	sadd.s32 s7, s5  }
0xb: {  	s7 =	ssub.s32 s8, s31;
	s8 =	simm.s32 $0x1;
	s4 =	sadd.s32 s4, s6  }
0xc: {  	s5 =	sadd.s32 $0x27AD600, s5;
	s6 =	smax.u32 s7, $0x1;
	s7 =	simm.s32 $0x2  }
.LBB2_1:
0xd: {  	[tilespmem:s2], [sflag:$0x2] =	stream.linear.gather [hbm4b:s4+s2], $0x3400, $0x38;
	[tilespmem:$0xB400] =	vst v63  }
0xe: {  	_ =	swait.ge [sflag:s7], $0x3400  }
0xf: {  	[sflag:s7] =	ssyncset.done $0x0  }
0x10: {  	s18 =	simm.s32 $0x0;
	[sflag:s7] =	ssyncadd.s32 $0xFFFFCC00  }
.LBB2_2:
0x11: {  	s19 =	sshll.u32 s18, $0x3;
	s20 =	simm.s32 $0x0;
	p0 =	por $0x1, $0x1  }
.LBB2_3:
0x12: {  	s21 =	sor.u32 s19, s20  }
0x13: {  	s21 =	smul.u32 $0x68, s21;
	_ =	sdelay $0x1  }
0x14: {  	s22 =	sshra.s32 s21, $0x2  }
0x15: {  	v0 =	vld [tilespmem:s22+$0x0];
	_ =	sdelay $0x4  }
0x16: {  	v0 =	vshll.u32 v0, $0x7  }
0x17: {  	(v2sf) =	vpush v0, $0x0;
	_ =	sdelay $0x2  }
0x18: {  	(v2sf) =	vpush v0, $0x1;
	_ =	sdelay $0x8  }
0x19: {  	(v2sf) =	vpush v0, $0x2;
	_ =	sdelay $0x2  }
0x1a: {  	s30 =	spop (v2sf);
	(v2sf) =	vpush v0, $0x3;
	_ =	sdelay $0x2  }
0x1b: {  	s25 =	spop (v2sf);
	(v2sf) =	vpush v0, $0x4;
	_ =	sdelay $0x3  }
0x1c: {  	(v2sf) =	vpush v0, $0x5  }
0x1d: {  	s31 =	sshll.u32 s20, $0xC;
	s23 =	sadd.s32 $0x80, s30  }
0x1e: {  	s21 =	sand.u32 $0x3FFFF000, s31;
	v1 =	vld [tilespmem:s22+$0xA];
	s23 =	sshrl.u32 s23, $0x3;
	s22 =	sadd.s32 $0xC35480, s25  }
0x1f: {  	s24 =	sadd.s32 $0x3400, s21;
	s23 =	sadd.s32 s3, s23;
	s22 =	sshrl.u32 s22, $0x3  }
0x20: {  	[tilespmem:s24], [sflag:$0x1] =	stream.linear.gather [hbm4b:s23+s2], $0x80, $0x38;
	[tilespmem:$0xB400] =	vst v63  }
0x21: {  	s26 =	sadd.s32 $0x3480, s21;
	s28 =	spop (v2sf);
	s22 =	sadd.s32 s3, s22  }
0x22: {  	[tilespmem:s26], [sflag:$0x1] =	stream.linear.gather [hbm4b:s22+s2], $0x80, $0x38;
	[tilespmem:$0xB400] =	vst v63  }
0x23: {  	s22 =	sadd.s32 $0x186A880, s28  }
0x24: {  	s22 =	sshrl.u32 s22, $0x3;
	s30 =	spop (v2sf);
	(v2sf) =	vpush v0, $0x6  }
0x25: {  	s29 =	sadd.s32 $0x3500, s21;
	s22 =	sadd.s32 s3, s22  }
0x26: {  	[tilespmem:s29], [sflag:$0x1] =	stream.linear.gather [hbm4b:s22+s2], $0x80, $0x38;
	[tilespmem:$0xB400] =	vst v63  }
0x27: {  	s22 =	sadd.s32 $0x249FC80, s30;
	s23 =	spop (v2sf);
	(v2sf) =	vpush v0, $0x7  }
0x28: {  	s22 =	sshrl.u32 s22, $0x3  }
0x29: {  	s31 =	sadd.s32 $0x3580, s21;
	s22 =	sadd.s32 s3, s22  }
0x2a: {  	[tilespmem:s31], [sflag:$0x1] =	stream.linear.gather [hbm4b:s22+s2], $0x80, $0x38;
	[tilespmem:$0xB400] =	vst v63  }
0x2b: {  	s25 =	spop (v2sf);
	(v2sf) =	vpush v0, $0x8;
	s22 =	sadd.s32 $0x30D5080, s23  }
0x2c: {  	s22 =	sshrl.u32 s22, $0x3  }
0x2d: {  	s24 =	sadd.s32 $0x3600, s21;
	s22 =	sadd.s32 s3, s22  }
0x2e: {  	[tilespmem:s24], [sflag:$0x1] =	stream.linear.gather [hbm4b:s22+s2], $0x80, $0x38;
	[tilespmem:$0xB400] =	vst v63  }
0x2f: {  	s22 =	sadd.s32 $0x3D0A480, s25  }
0x30: {  	s22 =	sshrl.u32 s22, $0x3  }
0x31: {  	s26 =	sadd.s32 $0x3680, s21;
	s22 =	sadd.s32 s3, s22  }
0x32: {  	[tilespmem:s26], [sflag:$0x1] =	stream.linear.gather [hbm4b:s22+s2], $0x80, $0x38;
	[tilespmem:$0xB400] =	vst v63  }
0x33: {  	s28 =	spop (v2sf)  }
0x34: {  	s22 =	sadd.s32 $0x493F880, s28  }
0x35: {  	s22 =	sshrl.u32 s22, $0x3  }
0x36: {  	s29 =	sadd.s32 $0x3700, s21;
	s30 =	spop (v2sf);
	s22 =	sadd.s32 s3, s22  }
0x37: {  	[tilespmem:s29], [sflag:$0x1] =	stream.linear.gather [hbm4b:s22+s2], $0x80, $0x38;
	[tilespmem:$0xB400] =	vst v63  }
0x38: {  	s22 =	sadd.s32 $0x5574C80, s30  }
0x39: {  	s22 =	sshrl.u32 s22, $0x3  }
0x3a: {  	s31 =	sadd.s32 $0x3780, s21;
	s24 =	spop (v2sf);
	s22 =	sadd.s32 s3, s22  }
0x3b: {  	[tilespmem:s31], [sflag:$0x1] =	stream.linear.gather [hbm4b:s22+s2], $0x80, $0x38;
	[tilespmem:$0xB400] =	vst v63  }
0x3c: {  	s22 =	sadd.s32 $0x61AA080, s24  }
0x3d: {  	s22 =	sshrl.u32 s22, $0x3  }
0x3e: {  	s25 =	sadd.s32 $0x3800, s21;
	s22 =	sadd.s32 s3, s22  }
0x3f: {  	[tilespmem:s25], [sflag:$0x1] =	stream.linear.gather [hbm4b:s22+s2], $0x80, $0x38;
	[tilespmem:$0xB400] =	vst v63  }
0x40: {  	(v2sf) =	vpush v0, $0x9  }
0x41: {  	(v2sf) =	vpush v0, $0xA;
	_ =	sdelay $0x4  }
0x42: {  	(v2sf) =	vpush v0, $0xB;
	_ =	sdelay $0x2  }
0x43: {  	(v2sf) =	vpush v0, $0xC;
	_ =	sdelay $0x5  }
0x44: {  	s22 =	spop (v2sf)  }
0x45: {  	s28 =	spop (v2sf);
	(v2sf) =	vpush v0, $0xD;
	_ =	sdelay $0x4  }
0x46: {  	s30 =	spop (v2sf);
	(v2sf) =	vpush v0, $0xE;
	_ =	sdelay $0x1  }
0x47: {  	s22 =	sadd.s32 $0x6DDF480, s22  }
0x48: {  	s22 =	sshrl.u32 s22, $0x3;
	s23 =	spop (v2sf);
	(v2sf) =	vpush v0, $0xF  }
0x49: {  	s26 =	sadd.s32 $0x3880, s21;
	s22 =	sadd.s32 s3, s22  }
0x4a: {  	[tilespmem:s26], [sflag:$0x1] =	stream.linear.gather [hbm4b:s22+s2], $0x80, $0x38;
	[tilespmem:$0xB400] =	vst v63  }
0x4b: {  	s22 =	sadd.s32 $0x7A14880, s28  }
0x4c: {  	s22 =	sshrl.u32 s22, $0x3  }
0x4d: {  	s29 =	sadd.s32 $0x3900, s21;
	s22 =	sadd.s32 s3, s22  }
0x4e: {  	v54 =	vshll.u32 v1, $0x7;
	[tilespmem:s29], [sflag:$0x1] =	stream.linear.gather [hbm4b:s22+s2], $0x80, $0x38;
	[tilespmem:$0xB400] =	vst v63  }
0x4f: {  	s25 =	spop (v2sf);
	(v2sf) =	vpush v54, $0x6  }
0x50: {  	s22 =	sadd.s32 $0x8649C80, s30  }
0x51: {  	s22 =	sshrl.u32 s22, $0x3  }
0x52: {  	s31 =	sadd.s32 $0x3980, s21;
	s22 =	sadd.s32 s3, s22  }
0x53: {  	[tilespmem:s31], [sflag:$0x1] =	stream.linear.gather [hbm4b:s22+s2], $0x80, $0x38;
	[tilespmem:$0xB400] =	vst v63  }
0x54: {  	s28 =	spop (v2sf);
	(v2sf) =	vpush v54, $0x7  }
0x55: {  	s22 =	sadd.s32 $0x927F080, s23  }
0x56: {  	s22 =	sshrl.u32 s22, $0x3  }
0x57: {  	s24 =	sadd.s32 $0x3A00, s21;
	s22 =	sadd.s32 s3, s22;
	s30 =	spop (v2sf);
	(v2sf) =	vpush v54, $0x8  }
0x58: {  	[tilespmem:s24], [sflag:$0x1] =	stream.linear.gather [hbm4b:s22+s2], $0x80, $0x38;
	[tilespmem:$0xB400] =	vst v63  }
0x59: {  	s22 =	sadd.s32 $0x9EB4480, s25  }
0x5a: {  	s22 =	sshrl.u32 s22, $0x3  }
0x5b: {  	s26 =	sadd.s32 $0x3A80, s21;
	s22 =	sadd.s32 s3, s22  }
0x5c: {  	[tilespmem:s26], [sflag:$0x1] =	stream.linear.gather [hbm4b:s22+s2], $0x80, $0x38;
	[tilespmem:$0xB400] =	vst v63  }
0x5d: {  	s22 =	sadd.s32 $0xAAE9880, s28  }
0x5e: {  	s22 =	sshrl.u32 s22, $0x3;
	s23 =	spop (v2sf);
	(v2sf) =	vpush v54, $0x9  }
0x5f: {  	s29 =	sadd.s32 $0x3B00, s21;
	s22 =	sadd.s32 s3, s22  }
0x60: {  	[tilespmem:s29], [sflag:$0x1] =	stream.linear.gather [hbm4b:s22+s2], $0x80, $0x38;
	[tilespmem:$0xB400] =	vst v63  }
0x61: {  	s22 =	sadd.s32 $0xB71EC80, s30  }
0x62: {  	s22 =	sshrl.u32 s22, $0x3  }
0x63: {  	s31 =	sadd.s32 $0x3B80, s21;
	s22 =	sadd.s32 s3, s22;
	s25 =	spop (v2sf);
	(v2sf) =	vpush v54, $0xA  }
0x64: {  	[tilespmem:s31], [sflag:$0x1] =	stream.linear.gather [hbm4b:s22+s2], $0x80, $0x38;
	[tilespmem:$0xB400] =	vst v63  }
0x65: {  	s22 =	sadd.s32 $0xC354080, s23  }
0x66: {  	s22 =	sshrl.u32 s22, $0x3;
	s28 =	spop (v2sf);
	(v2sf) =	vpush v54, $0xB  }
0x67: {  	s24 =	sadd.s32 $0x3C00, s21;
	s22 =	sadd.s32 s3, s22  }
0x68: {  	[tilespmem:s24], [sflag:$0x1] =	stream.linear.gather [hbm4b:s22+s2], $0x80, $0x38;
	[tilespmem:$0xB400] =	vst v63  }
0x69: {  	s22 =	sadd.s32 $0xCF89480, s25  }
0x6a: {  	s22 =	sshrl.u32 s22, $0x3  }
0x6b: {  	s26 =	sadd.s32 $0x3C80, s21;
	s22 =	sadd.s32 s3, s22  }
0x6c: {  	[tilespmem:s26], [sflag:$0x1] =	stream.linear.gather [hbm4b:s22+s2], $0x80, $0x38;
	[tilespmem:$0xB400] =	vst v63  }
0x6d: {  	s30 =	spop (v2sf);
	(v2sf) =	vpush v54, $0xC  }
0x6e: {  	s22 =	sadd.s32 $0xDBBE880, s28  }
0x6f: {  	s22 =	sshrl.u32 s22, $0x3  }
0x70: {  	s29 =	sadd.s32 $0x3D00, s21;
	s22 =	sadd.s32 s3, s22  }
0x71: {  	[tilespmem:s29], [sflag:$0x1] =	stream.linear.gather [hbm4b:s22+s2], $0x80, $0x38;
	[tilespmem:$0xB400] =	vst v63  }
0x72: {  	s23 =	spop (v2sf);
	(v2sf) =	vpush v54, $0xD  }
0x73: {  	s22 =	sadd.s32 $0xE7F3C80, s30  }
0x74: {  	s22 =	sshrl.u32 s22, $0x3  }
0x75: {  	s31 =	sadd.s32 $0x3D80, s21;
	s25 =	spop (v2sf);
	s22 =	sadd.s32 s3, s22  }
0x76: {  	(v2sf) =	vpush v54, $0xE;
	[tilespmem:s31], [sflag:$0x1] =	stream.linear.gather [hbm4b:s22+s2], $0x80, $0x38;
	[tilespmem:$0xB400] =	vst v63  }
0x77: {  	s22 =	sadd.s32 $0xF429080, s23  }
0x78: {  	s22 =	sshrl.u32 s22, $0x3  }
0x79: {  	s24 =	sadd.s32 $0x3E00, s21;
	s22 =	sadd.s32 s3, s22  }
0x7a: {  	[tilespmem:s24], [sflag:$0x1] =	stream.linear.gather [hbm4b:s22+s2], $0x80, $0x38;
	[tilespmem:$0xB400] =	vst v63  }
0x7b: {  	s22 =	sadd.s32 $0x1005E480, s25  }
0x7c: {  	s22 =	sshrl.u32 s22, $0x3;
	s28 =	spop (v2sf);
	(v2sf) =	vpush v54, $0xF  }
0x7d: {  	s26 =	sadd.s32 $0x3E80, s21;
	s22 =	sadd.s32 s3, s22  }
0x7e: {  	[tilespmem:s26], [sflag:$0x1] =	stream.linear.gather [hbm4b:s22+s2], $0x80, $0x38;
	[tilespmem:$0xB400] =	vst v63  }
0x7f: {  	s22 =	sadd.s32 $0x10C93880, s28  }
0x80: {  	s22 =	sshrl.u32 s22, $0x3  }
0x81: {  	s29 =	sadd.s32 $0x3F00, s21;
	s30 =	spop (v2sf);
	s22 =	sadd.s32 s3, s22  }
0x82: {  	[tilespmem:s29], [sflag:$0x1] =	stream.linear.gather [hbm4b:s22+s2], $0x80, $0x38;
	[tilespmem:$0xB400] =	vst v63  }
0x83: {  	s22 =	sadd.s32 $0x118C8C80, s30  }
0x84: {  	s22 =	sshrl.u32 s22, $0x3  }
0x85: {  	s31 =	sadd.s32 $0x3F80, s21;
	s24 =	spop (v2sf);
	s22 =	sadd.s32 s3, s22  }
0x86: {  	[tilespmem:s31], [sflag:$0x1] =	stream.linear.gather [hbm4b:s22+s2], $0x80, $0x38;
	[tilespmem:$0xB400] =	vst v63  }
0x87: {  	s22 =	sadd.s32 $0x124FE080, s24  }
0x88: {  	s22 =	sshrl.u32 s22, $0x3  }
0x89: {  	s25 =	sadd.s32 $0x4000, s21;
	s22 =	sadd.s32 s3, s22  }
0x8a: {  	[tilespmem:s25], [sflag:$0x1] =	stream.linear.gather [hbm4b:s22+s2], $0x80, $0x38;
	[tilespmem:$0xB400] =	vst v63  }
0x8b: {  	s26 =	spop (v2sf)  }
0x8c: {  	s22 =	sadd.s32 $0x13133480, s26  }
0x8d: {  	s22 =	sshrl.u32 s22, $0x3  }
0x8e: {  	s21 =	sadd.s32 $0x4080, s21;
	s22 =	sadd.s32 s3, s22  }
0x8f: {  	[tilespmem:s21], [sflag:$0x1] =	stream.linear.gather [hbm4b:s22+s2], $0x80, $0x38;
	[tilespmem:$0xB400] =	vst v63  }
0x90: {  	_ =	swait.ge [sflag:s8], $0x80  }
0x91: {  	[sflag:s8] =	ssyncset.done $0x0  }
0x92: {  	[sflag:s8] =	ssyncadd.s32 $0xFFFFFF80  }
0x93: {  	_ =	swait.ge [sflag:s8], $0x80  }
0x94: {  	[sflag:s8] =	ssyncset.done $0x0  }
0x95: {  	[sflag:s8] =	ssyncadd.s32 $0xFFFFFF80  }
0x96: {  	_ =	swait.ge [sflag:s8], $0x80  }
0x97: {  	[sflag:s8] =	ssyncset.done $0x0  }
0x98: {  	[sflag:s8] =	ssyncadd.s32 $0xFFFFFF80  }
0x99: {  	_ =	swait.ge [sflag:s8], $0x80  }
0x9a: {  	[sflag:s8] =	ssyncset.done $0x0  }
0x9b: {  	[sflag:s8] =	ssyncadd.s32 $0xFFFFFF80  }
0x9c: {  	_ =	swait.ge [sflag:s8], $0x80  }
0x9d: {  	[sflag:s8] =	ssyncset.done $0x0  }
0x9e: {  	[sflag:s8] =	ssyncadd.s32 $0xFFFFFF80  }
0x9f: {  	_ =	swait.ge [sflag:s8], $0x80  }
0xa0: {  	[sflag:s8] =	ssyncset.done $0x0  }
0xa1: {  	[sflag:s8] =	ssyncadd.s32 $0xFFFFFF80  }
0xa2: {  	_ =	swait.ge [sflag:s8], $0x80  }
0xa3: {  	[sflag:s8] =	ssyncset.done $0x0  }
0xa4: {  	[sflag:s8] =	ssyncadd.s32 $0xFFFFFF80  }
0xa5: {  	_ =	swait.ge [sflag:s8], $0x80  }
0xa6: {  	[sflag:s8] =	ssyncset.done $0x0  }
0xa7: {  	[sflag:s8] =	ssyncadd.s32 $0xFFFFFF80  }
0xa8: {  	_ =	swait.ge [sflag:s8], $0x80  }
0xa9: {  	[sflag:s8] =	ssyncset.done $0x0  }
0xaa: {  	[sflag:s8] =	ssyncadd.s32 $0xFFFFFF80  }
0xab: {  	_ =	swait.ge [sflag:s8], $0x80  }
0xac: {  	[sflag:s8] =	ssyncset.done $0x0  }
0xad: {  	[sflag:s8] =	ssyncadd.s32 $0xFFFFFF80  }
0xae: {  	_ =	swait.ge [sflag:s8], $0x80  }
0xaf: {  	[sflag:s8] =	ssyncset.done $0x0  }
0xb0: {  	[sflag:s8] =	ssyncadd.s32 $0xFFFFFF80  }
0xb1: {  	_ =	swait.ge [sflag:s8], $0x80  }
0xb2: {  	[sflag:s8] =	ssyncset.done $0x0  }
0xb3: {  	[sflag:s8] =	ssyncadd.s32 $0xFFFFFF80  }
0xb4: {  	_ =	swait.ge [sflag:s8], $0x80  }
0xb5: {  	[sflag:s8] =	ssyncset.done $0x0  }
0xb6: {  	[sflag:s8] =	ssyncadd.s32 $0xFFFFFF80  }
0xb7: {  	_ =	swait.ge [sflag:s8], $0x80  }
0xb8: {  	[sflag:s8] =	ssyncset.done $0x0  }
0xb9: {  	[sflag:s8] =	ssyncadd.s32 $0xFFFFFF80  }
0xba: {  	_ =	swait.ge [sflag:s8], $0x80  }
0xbb: {  	[sflag:s8] =	ssyncset.done $0x0  }
0xbc: {  	[sflag:s8] =	ssyncadd.s32 $0xFFFFFF80  }
0xbd: {  	_ =	swait.ge [sflag:s8], $0x80  }
0xbe: {  	[sflag:s8] =	ssyncset.done $0x0  }
0xbf: {  	[sflag:s8] =	ssyncadd.s32 $0xFFFFFF80  }
0xc0: {  	_ =	swait.ge [sflag:s8], $0x80  }
0xc1: {  	[sflag:s8] =	ssyncset.done $0x0  }
0xc2: {  	[sflag:s8] =	ssyncadd.s32 $0xFFFFFF80  }
0xc3: {  	_ =	swait.ge [sflag:s8], $0x80  }
0xc4: {  	[sflag:s8] =	ssyncset.done $0x0  }
0xc5: {  	[sflag:s8] =	ssyncadd.s32 $0xFFFFFF80  }
0xc6: {  	_ =	swait.ge [sflag:s8], $0x80  }
0xc7: {  	[sflag:s8] =	ssyncset.done $0x0  }
0xc8: {  	[sflag:s8] =	ssyncadd.s32 $0xFFFFFF80  }
0xc9: {  	_ =	swait.ge [sflag:s8], $0x80  }
0xca: {  	[sflag:s8] =	ssyncset.done $0x0  }
0xcb: {  	[sflag:s8] =	ssyncadd.s32 $0xFFFFFF80  }
0xcc: {  	_ =	swait.ge [sflag:s8], $0x80  }
0xcd: {  	[sflag:s8] =	ssyncset.done $0x0  }
0xce: {  	[sflag:s8] =	ssyncadd.s32 $0xFFFFFF80  }
0xcf: {  	_ =	swait.ge [sflag:s8], $0x80  }
0xd0: {  	[sflag:s8] =	ssyncset.done $0x0  }
0xd1: {  	[sflag:s8] =	ssyncadd.s32 $0xFFFFFF80  }
0xd2: {  	_ =	swait.ge [sflag:s8], $0x80  }
0xd3: {  	[sflag:s8] =	ssyncset.done $0x0  }
0xd4: {  	[sflag:s8] =	ssyncadd.s32 $0xFFFFFF80  }
0xd5: {  	_ =	swait.ge [sflag:s8], $0x80  }
0xd6: {  	[sflag:s8] =	ssyncset.done $0x0  }
0xd7: {  	[sflag:s8] =	ssyncadd.s32 $0xFFFFFF80  }
0xd8: {  	_ =	swait.ge [sflag:s8], $0x80  }
0xd9: {  	s28 =	sor.u32 $0x1, s20;
	[sflag:s8] =	ssyncset.done $0x0  }
0xda: {  	s29 =	sor.u32 s19, s28;
	[sflag:s8] =	ssyncadd.s32 $0xFFFFFF80  }
0xdb: {  	s22 =	smul.u32 $0x68, s29;
	_ =	swait.ge [sflag:s8], $0x80  }
0xdc: {  	[sflag:s8] =	ssyncset.done $0x0  }
0xdd: {  	s22 =	sshra.s32 s22, $0x2;
	[sflag:s8] =	ssyncadd.s32 $0xFFFFFF80  }
0xde: {  	v55 =	vld [tilespmem:s22+$0x0];
	_ =	sdelay $0x4  }
0xdf: {  	v0 =	vshll.u32 v55, $0x7  }
0xe0: {  	(v2sf) =	vpush v0, $0x0;
	_ =	sdelay $0x4  }
0xe1: {  	(v2sf) =	vpush v0, $0x1;
	_ =	sdelay $0x4  }
0xe2: {  	(v2sf) =	vpush v0, $0x2;
	_ =	sdelay $0x2  }
0xe3: {  	(v2sf) =	vpush v0, $0x3;
	_ =	sdelay $0x1  }
0xe4: {  	s30 =	spop (v2sf)  }
0xe5: {  	s21 =	sshll.u32 s28, $0xC;
	s23 =	sadd.s32 $0x80, s30  }
0xe6: {  	s21 =	sand.u32 $0x3FFFF000, s21;
	s23 =	sshrl.u32 s23, $0x3  }
0xe7: {  	s31 =	sadd.s32 $0x3400, s21;
	s23 =	sadd.s32 s3, s23  }
0xe8: {  	v56 =	vld [tilespmem:s22+$0xA];
	[tilespmem:s31], [sflag:$0x1] =	stream.linear.gather [hbm4b:s23+s2], $0x80, $0x38  }
0xe9: {  	s23 =	spop (v2sf);
	(v2sf) =	vpush v0, $0x4;
	_ =	sdelay $0x4  }
0xea: {  	s25 =	spop (v2sf);
	(v2sf) =	vpush v0, $0x5;
	_ =	sdelay $0x2  }
0xeb: {  	s28 =	spop (v2sf);
	(v2sf) =	vpush v0, $0x6;
	_ =	sdelay $0x6  }
0xec: {  	s30 =	spop (v2sf);
	(v2sf) =	vpush v0, $0x7;
	_ =	sdelay $0x2  }
0xed: {  	s22 =	sadd.s32 $0xC35480, s23  }
0xee: {  	s22 =	sshrl.u32 s22, $0x3  }
0xef: {  	s24 =	sadd.s32 $0x3480, s21;
	s22 =	sadd.s32 s3, s22;
	s23 =	spop (v2sf);
	(v2sf) =	vpush v0, $0x8  }
0xf0: {  	[tilespmem:s24], [sflag:$0x1] =	stream.linear.gather [hbm4b:s22+s2], $0x80, $0x38;
	[tilespmem:$0xB400] =	vst v63  }
0xf1: {  	s22 =	sadd.s32 $0x186A880, s25  }
0xf2: {  	s22 =	sshrl.u32 s22, $0x3;
	s25 =	spop (v2sf);
	(v2sf) =	vpush v0, $0x9  }
0xf3: {  	s26 =	sadd.s32 $0x3500, s21;
	s22 =	sadd.s32 s3, s22  }
0xf4: {  	[tilespmem:s26], [sflag:$0x1] =	stream.linear.gather [hbm4b:s22+s2], $0x80, $0x38;
	[tilespmem:$0xB400] =	vst v63  }
0xf5: {  	s22 =	sadd.s32 $0x249FC80, s28  }
0xf6: {  	s22 =	sshrl.u32 s22, $0x3  }
0xf7: {  	s29 =	sadd.s32 $0x3580, s21;
	s22 =	sadd.s32 s3, s22  }
0xf8: {  	[tilespmem:s29], [sflag:$0x1] =	stream.linear.gather [hbm4b:s22+s2], $0x80, $0x38;
	[tilespmem:$0xB400] =	vst v63  }
0xf9: {  	s28 =	spop (v2sf);
	(v2sf) =	vpush v0, $0xA  }
0xfa: {  	s22 =	sadd.s32 $0x30D5080, s30  }
0xfb: {  	s22 =	sshrl.u32 s22, $0x3  }
0xfc: {  	s31 =	sadd.s32 $0x3600, s21;
	s22 =	sadd.s32 s3, s22  }
0xfd: {  	[tilespmem:s31], [sflag:$0x1] =	stream.linear.gather [hbm4b:s22+s2], $0x80, $0x38;
	[tilespmem:$0xB400] =	vst v63  }
0xfe: {  	s30 =	spop (v2sf);
	(v2sf) =	vpush v0, $0xB  }
0xff: {  	s22 =	sadd.s32 $0x3D0A480, s23  }
0x100: {  	s22 =	sshrl.u32 s22, $0x3  }
0x101: {  	s24 =	sadd.s32 $0x3680, s21;
	s22 =	sadd.s32 s3, s22;
	s23 =	spop (v2sf);
	(v2sf) =	vpush v0, $0xC  }
0x102: {  	[tilespmem:s24], [sflag:$0x1] =	stream.linear.gather [hbm4b:s22+s2], $0x80, $0x38;
	[tilespmem:$0xB400] =	vst v63  }
0x103: {  	s22 =	sadd.s32 $0x493F880, s25  }
0x104: {  	s22 =	sshrl.u32 s22, $0x3  }
0x105: {  	s26 =	sadd.s32 $0x3700, s21;
	s22 =	sadd.s32 s3, s22  }
0x106: {  	[tilespmem:s26], [sflag:$0x1] =	stream.linear.gather [hbm4b:s22+s2], $0x80, $0x38;
	[tilespmem:$0xB400] =	vst v63  }
0x107: {  	s22 =	sadd.s32 $0x5574C80, s28  }
0x108: {  	s22 =	sshrl.u32 s22, $0x3;
	s25 =	spop (v2sf);
	(v2sf) =	vpush v0, $0xD  }
0x109: {  	s29 =	sadd.s32 $0x3780, s21;
	s22 =	sadd.s32 s3, s22  }
0x10a: {  	[tilespmem:s29], [sflag:$0x1] =	stream.linear.gather [hbm4b:s22+s2], $0x80, $0x38;
	[tilespmem:$0xB400] =	vst v63  }
0x10b: {  	s22 =	sadd.s32 $0x61AA080, s30  }
0x10c: {  	s22 =	sshrl.u32 s22, $0x3  }
0x10d: {  	s31 =	sadd.s32 $0x3800, s21;
	s22 =	sadd.s32 s3, s22;
	s28 =	spop (v2sf);
	(v2sf) =	vpush v0, $0xE  }
0x10e: {  	[tilespmem:s31], [sflag:$0x1] =	stream.linear.gather [hbm4b:s22+s2], $0x80, $0x38;
	[tilespmem:$0xB400] =	vst v63  }
0x10f: {  	s22 =	sadd.s32 $0x6DDF480, s23  }
0x110: {  	s22 =	sshrl.u32 s22, $0x3;
	s30 =	spop (v2sf);
	(v2sf) =	vpush v0, $0xF  }
0x111: {  	s24 =	sadd.s32 $0x3880, s21;
	s22 =	sadd.s32 s3, s22  }
0x112: {  	[tilespmem:s24], [sflag:$0x1] =	stream.linear.gather [hbm4b:s22+s2], $0x80, $0x38;
	[tilespmem:$0xB400] =	vst v63  }
0x113: {  	s22 =	sadd.s32 $0x7A14880, s25  }
0x114: {  	s22 =	sshrl.u32 s22, $0x3  }
0x115: {  	s26 =	sadd.s32 $0x3900, s21;
	s22 =	sadd.s32 s3, s22  }
0x116: {  	v57 =	vshll.u32 v56, $0x7;
	[tilespmem:s26], [sflag:$0x1] =	stream.linear.gather [hbm4b:s22+s2], $0x80, $0x38;
	[tilespmem:$0xB400] =	vst v63  }
0x117: {  	s23 =	spop (v2sf);
	(v2sf) =	vpush v57, $0x6  }
0x118: {  	s22 =	sadd.s32 $0x8649C80, s28  }
0x119: {  	s22 =	sshrl.u32 s22, $0x3  }
0x11a: {  	s29 =	sadd.s32 $0x3980, s21;
	s22 =	sadd.s32 s3, s22  }
0x11b: {  	[tilespmem:s29], [sflag:$0x1] =	stream.linear.gather [hbm4b:s22+s2], $0x80, $0x38;
	[tilespmem:$0xB400] =	vst v63  }
0x11c: {  	s25 =	spop (v2sf);
	(v2sf) =	vpush v57, $0x7  }
0x11d: {  	s22 =	sadd.s32 $0x927F080, s30  }
0x11e: {  	s22 =	sshrl.u32 s22, $0x3  }
0x11f: {  	s31 =	sadd.s32 $0x3A00, s21;
	s22 =	sadd.s32 s3, s22;
	s28 =	spop (v2sf);
	(v2sf) =	vpush v57, $0x8  }
0x120: {  	[tilespmem:s31], [sflag:$0x1] =	stream.linear.gather [hbm4b:s22+s2], $0x80, $0x38;
	[tilespmem:$0xB400] =	vst v63  }
0x121: {  	s22 =	sadd.s32 $0x9EB4480, s23  }
0x122: {  	s22 =	sshrl.u32 s22, $0x3  }
0x123: {  	s24 =	sadd.s32 $0x3A80, s21;
	s22 =	sadd.s32 s3, s22  }
0x124: {  	[tilespmem:s24], [sflag:$0x1] =	stream.linear.gather [hbm4b:s22+s2], $0x80, $0x38;
	[tilespmem:$0xB400] =	vst v63  }
0x125: {  	s22 =	sadd.s32 $0xAAE9880, s25  }
0x126: {  	s22 =	sshrl.u32 s22, $0x3;
	s30 =	spop (v2sf);
	(v2sf) =	vpush v57, $0x9  }
0x127: {  	s26 =	sadd.s32 $0x3B00, s21;
	s22 =	sadd.s32 s3, s22  }
0x128: {  	[tilespmem:s26], [sflag:$0x1] =	stream.linear.gather [hbm4b:s22+s2], $0x80, $0x38;
	[tilespmem:$0xB400] =	vst v63  }
0x129: {  	s22 =	sadd.s32 $0xB71EC80, s28  }
0x12a: {  	s22 =	sshrl.u32 s22, $0x3  }
0x12b: {  	s29 =	sadd.s32 $0x3B80, s21;
	s22 =	sadd.s32 s3, s22;
	s23 =	spop (v2sf);
	(v2sf) =	vpush v57, $0xA  }
0x12c: {  	[tilespmem:s29], [sflag:$0x1] =	stream.linear.gather [hbm4b:s22+s2], $0x80, $0x38;
	[tilespmem:$0xB400] =	vst v63  }
0x12d: {  	s22 =	sadd.s32 $0xC354080, s30  }
0x12e: {  	s22 =	sshrl.u32 s22, $0x3;
	s25 =	spop (v2sf);
	(v2sf) =	vpush v57, $0xB  }
0x12f: {  	s31 =	sadd.s32 $0x3C00, s21;
	s22 =	sadd.s32 s3, s22  }
0x130: {  	[tilespmem:s31], [sflag:$0x1] =	stream.linear.gather [hbm4b:s22+s2], $0x80, $0x38;
	[tilespmem:$0xB400] =	vst v63  }
0x131: {  	s22 =	sadd.s32 $0xCF89480, s23  }
0x132: {  	s22 =	sshrl.u32 s22, $0x3  }
0x133: {  	s24 =	sadd.s32 $0x3C80, s21;
	s22 =	sadd.s32 s3, s22  }
0x134: {  	[tilespmem:s24], [sflag:$0x1] =	stream.linear.gather [hbm4b:s22+s2], $0x80, $0x38;
	[tilespmem:$0xB400] =	vst v63  }
0x135: {  	s28 =	spop (v2sf);
	(v2sf) =	vpush v57, $0xC  }
0x136: {  	s22 =	sadd.s32 $0xDBBE880, s25  }
0x137: {  	s22 =	sshrl.u32 s22, $0x3  }
0x138: {  	s26 =	sadd.s32 $0x3D00, s21;
	s22 =	sadd.s32 s3, s22  }
0x139: {  	[tilespmem:s26], [sflag:$0x1] =	stream.linear.gather [hbm4b:s22+s2], $0x80, $0x38;
	[tilespmem:$0xB400] =	vst v63  }
0x13a: {  	s30 =	spop (v2sf);
	(v2sf) =	vpush v57, $0xD  }
0x13b: {  	s22 =	sadd.s32 $0xE7F3C80, s28  }
0x13c: {  	s22 =	sshrl.u32 s22, $0x3  }
0x13d: {  	s29 =	sadd.s32 $0x3D80, s21;
	s23 =	spop (v2sf);
	s22 =	sadd.s32 s3, s22  }
0x13e: {  	(v2sf) =	vpush v57, $0xE;
	[tilespmem:s29], [sflag:$0x1] =	stream.linear.gather [hbm4b:s22+s2], $0x80, $0x38;
	[tilespmem:$0xB400] =	vst v63  }
0x13f: {  	s22 =	sadd.s32 $0xF429080, s30  }
0x140: {  	s22 =	sshrl.u32 s22, $0x3  }
0x141: {  	s31 =	sadd.s32 $0x3E00, s21;
	s22 =	sadd.s32 s3, s22  }
0x142: {  	[tilespmem:s31], [sflag:$0x1] =	stream.linear.gather [hbm4b:s22+s2], $0x80, $0x38;
	[tilespmem:$0xB400] =	vst v63  }
0x143: {  	s22 =	sadd.s32 $0x1005E480, s23  }
0x144: {  	s22 =	sshrl.u32 s22, $0x3;
	s25 =	spop (v2sf);
	(v2sf) =	vpush v57, $0xF  }
0x145: {  	s24 =	sadd.s32 $0x3E80, s21;
	s22 =	sadd.s32 s3, s22  }
0x146: {  	[tilespmem:s24], [sflag:$0x1] =	stream.linear.gather [hbm4b:s22+s2], $0x80, $0x38;
	[tilespmem:$0xB400] =	vst v63  }
0x147: {  	s22 =	sadd.s32 $0x10C93880, s25  }
0x148: {  	s22 =	sshrl.u32 s22, $0x3  }
0x149: {  	s26 =	sadd.s32 $0x3F00, s21;
	s28 =	spop (v2sf);
	s22 =	sadd.s32 s3, s22  }
0x14a: {  	[tilespmem:s26], [sflag:$0x1] =	stream.linear.gather [hbm4b:s22+s2], $0x80, $0x38;
	[tilespmem:$0xB400] =	vst v63  }
0x14b: {  	s22 =	sadd.s32 $0x118C8C80, s28  }
0x14c: {  	s22 =	sshrl.u32 s22, $0x3  }
0x14d: {  	s29 =	sadd.s32 $0x3F80, s21;
	s30 =	spop (v2sf);
	s22 =	sadd.s32 s3, s22  }
0x14e: {  	[tilespmem:s29], [sflag:$0x1] =	stream.linear.gather [hbm4b:s22+s2], $0x80, $0x38;
	[tilespmem:$0xB400] =	vst v63  }
0x14f: {  	s22 =	sadd.s32 $0x124FE080, s30  }
0x150: {  	s22 =	sshrl.u32 s22, $0x3  }
0x151: {  	s31 =	sadd.s32 $0x4000, s21;
	s22 =	sadd.s32 s3, s22  }
0x152: {  	[tilespmem:s31], [sflag:$0x1] =	stream.linear.gather [hbm4b:s22+s2], $0x80, $0x38;
	[tilespmem:$0xB400] =	vst v63  }
0x153: {  	s24 =	spop (v2sf)  }
0x154: {  	s22 =	sadd.s32 $0x13133480, s24  }
0x155: {  	s22 =	sshrl.u32 s22, $0x3  }
0x156: {  	s21 =	sadd.s32 $0x4080, s21;
	s22 =	sadd.s32 s3, s22  }
0x157: {  	[tilespmem:s21], [sflag:$0x1] =	stream.linear.gather [hbm4b:s22+s2], $0x80, $0x38;
	[tilespmem:$0xB400] =	vst v63  }
0x158: {  	_ =	swait.ge [sflag:s8], $0x80  }
0x159: {  	[sflag:s8] =	ssyncset.done $0x0  }
0x15a: {  	[sflag:s8] =	ssyncadd.s32 $0xFFFFFF80  }
0x15b: {  	_ =	swait.ge [sflag:s8], $0x80  }
0x15c: {  	[sflag:s8] =	ssyncset.done $0x0  }
0x15d: {  	[sflag:s8] =	ssyncadd.s32 $0xFFFFFF80  }
0x15e: {  	_ =	swait.ge [sflag:s8], $0x80  }
0x15f: {  	[sflag:s8] =	ssyncset.done $0x0  }
0x160: {  	[sflag:s8] =	ssyncadd.s32 $0xFFFFFF80  }
0x161: {  	_ =	swait.ge [sflag:s8], $0x80  }
0x162: {  	[sflag:s8] =	ssyncset.done $0x0  }
0x163: {  	[sflag:s8] =	ssyncadd.s32 $0xFFFFFF80  }
0x164: {  	_ =	swait.ge [sflag:s8], $0x80  }
0x165: {  	[sflag:s8] =	ssyncset.done $0x0  }
0x166: {  	[sflag:s8] =	ssyncadd.s32 $0xFFFFFF80  }
0x167: {  	_ =	swait.ge [sflag:s8], $0x80  }
0x168: {  	[sflag:s8] =	ssyncset.done $0x0  }
0x169: {  	[sflag:s8] =	ssyncadd.s32 $0xFFFFFF80  }
0x16a: {  	_ =	swait.ge [sflag:s8], $0x80  }
0x16b: {  	[sflag:s8] =	ssyncset.done $0x0  }
0x16c: {  	[sflag:s8] =	ssyncadd.s32 $0xFFFFFF80  }
0x16d: {  	_ =	swait.ge [sflag:s8], $0x80  }
0x16e: {  	[sflag:s8] =	ssyncset.done $0x0  }
0x16f: {  	[sflag:s8] =	ssyncadd.s32 $0xFFFFFF80  }
0x170: {  	_ =	swait.ge [sflag:s8], $0x80  }
0x171: {  	[sflag:s8] =	ssyncset.done $0x0  }
0x172: {  	[sflag:s8] =	ssyncadd.s32 $0xFFFFFF80  }
0x173: {  	_ =	swait.ge [sflag:s8], $0x80  }
0x174: {  	[sflag:s8] =	ssyncset.done $0x0  }
0x175: {  	[sflag:s8] =	ssyncadd.s32 $0xFFFFFF80  }
0x176: {  	_ =	swait.ge [sflag:s8], $0x80  }
0x177: {  	[sflag:s8] =	ssyncset.done $0x0  }
0x178: {  	[sflag:s8] =	ssyncadd.s32 $0xFFFFFF80  }
0x179: {  	_ =	swait.ge [sflag:s8], $0x80  }
0x17a: {  	[sflag:s8] =	ssyncset.done $0x0  }
0x17b: {  	[sflag:s8] =	ssyncadd.s32 $0xFFFFFF80  }
0x17c: {  	_ =	swait.ge [sflag:s8], $0x80  }
0x17d: {  	[sflag:s8] =	ssyncset.done $0x0  }
0x17e: {  	[sflag:s8] =	ssyncadd.s32 $0xFFFFFF80  }
0x17f: {  	_ =	swait.ge [sflag:s8], $0x80  }
0x180: {  	[sflag:s8] =	ssyncset.done $0x0  }
0x181: {  	[sflag:s8] =	ssyncadd.s32 $0xFFFFFF80  }
0x182: {  	_ =	swait.ge [sflag:s8], $0x80  }
0x183: {  	[sflag:s8] =	ssyncset.done $0x0  }
0x184: {  	[sflag:s8] =	ssyncadd.s32 $0xFFFFFF80  }
0x185: {  	_ =	swait.ge [sflag:s8], $0x80  }
0x186: {  	[sflag:s8] =	ssyncset.done $0x0  }
0x187: {  	[sflag:s8] =	ssyncadd.s32 $0xFFFFFF80  }
0x188: {  	_ =	swait.ge [sflag:s8], $0x80  }
0x189: {  	[sflag:s8] =	ssyncset.done $0x0  }
0x18a: {  	[sflag:s8] =	ssyncadd.s32 $0xFFFFFF80  }
0x18b: {  	_ =	swait.ge [sflag:s8], $0x80  }
0x18c: {  	[sflag:s8] =	ssyncset.done $0x0  }
0x18d: {  	[sflag:s8] =	ssyncadd.s32 $0xFFFFFF80  }
0x18e: {  	_ =	swait.ge [sflag:s8], $0x80  }
0x18f: {  	[sflag:s8] =	ssyncset.done $0x0  }
0x190: {  	[sflag:s8] =	ssyncadd.s32 $0xFFFFFF80  }
0x191: {  	_ =	swait.ge [sflag:s8], $0x80  }
0x192: {  	[sflag:s8] =	ssyncset.done $0x0  }
0x193: {  	[sflag:s8] =	ssyncadd.s32 $0xFFFFFF80  }
0x194: {  	_ =	swait.ge [sflag:s8], $0x80  }
0x195: {  	[sflag:s8] =	ssyncset.done $0x0  }
0x196: {  	[sflag:s8] =	ssyncadd.s32 $0xFFFFFF80  }
0x197: {  	_ =	swait.ge [sflag:s8], $0x80  }
0x198: {  	[sflag:s8] =	ssyncset.done $0x0  }
0x199: {  	[sflag:s8] =	ssyncadd.s32 $0xFFFFFF80  }
0x19a: {  	_ =	swait.ge [sflag:s8], $0x80  }
0x19b: {  	[sflag:s8] =	ssyncset.done $0x0  }
0x19c: {  	[sflag:s8] =	ssyncadd.s32 $0xFFFFFF80  }
0x19d: {  	_ =	swait.ge [sflag:s8], $0x80  }
0x19e: {  	[sflag:s8] =	ssyncset.done $0x0  }
0x19f: {  	[sflag:s8] =	ssyncadd.s32 $0xFFFFFF80  }
0x1a0: {  	_ =	swait.ge [sflag:s8], $0x80  }
0x1a1: {  	s25 =	sor.u32 $0x2, s20;
	[sflag:s8] =	ssyncset.done $0x0  }
0x1a2: {  	s26 =	sor.u32 s19, s25;
	[sflag:s8] =	ssyncadd.s32 $0xFFFFFF80  }
0x1a3: {  	s22 =	smul.u32 $0x68, s26;
	_ =	swait.ge [sflag:s8], $0x80  }
0x1a4: {  	[sflag:s8] =	ssyncset.done $0x0  }
0x1a5: {  	s22 =	sshra.s32 s22, $0x2;
	[sflag:s8] =	ssyncadd.s32 $0xFFFFFF80  }
0x1a6: {  	v58 =	vld [tilespmem:s22+$0x0];
	_ =	sdelay $0x4  }
0x1a7: {  	v0 =	vshll.u32 v58, $0x7  }
0x1a8: {  	(v2sf) =	vpush v0, $0x0  }
0x1a9: {  	(v2sf) =	vpush v0, $0x1;
	_ =	sdelay $0x4  }
0x1aa: {  	(v2sf) =	vpush v0, $0x2;
	_ =	sdelay $0x3  }
0x1ab: {  	(v2sf) =	vpush v0, $0x3;
	_ =	sdelay $0x4  }
0x1ac: {  	s28 =	spop (v2sf)  }
0x1ad: {  	s30 =	spop (v2sf);
	(v2sf) =	vpush v0, $0x4  }
0x1ae: {  	s21 =	sshll.u32 s25, $0xC;
	s23 =	sadd.s32 $0x80, s28  }
0x1af: {  	s21 =	sand.u32 $0x3FFFF000, s21;
	s23 =	sshrl.u32 s23, $0x3  }
0x1b0: {  	s29 =	sadd.s32 $0x3400, s21;
	s23 =	sadd.s32 s3, s23  }
0x1b1: {  	v59 =	vld [tilespmem:s22+$0xA];
	[tilespmem:s29], [sflag:$0x1] =	stream.linear.gather [hbm4b:s23+s2], $0x80, $0x38  }
0x1b2: {  	s23 =	spop (v2sf);
	(v2sf) =	vpush v0, $0x5;
	_ =	sdelay $0x3  }
0x1b3: {  	s25 =	spop (v2sf);
	(v2sf) =	vpush v0, $0x6;
	_ =	sdelay $0x5  }
0x1b4: {  	s28 =	spop (v2sf);
	(v2sf) =	vpush v0, $0x7;
	_ =	sdelay $0x2  }
0x1b5: {  	s22 =	sadd.s32 $0xC35480, s30  }
0x1b6: {  	s22 =	sshrl.u32 s22, $0x3  }
0x1b7: {  	s31 =	sadd.s32 $0x3480, s21;
	s22 =	sadd.s32 s3, s22;
	s30 =	spop (v2sf);
	(v2sf) =	vpush v0, $0x8  }
0x1b8: {  	[tilespmem:s31], [sflag:$0x1] =	stream.linear.gather [hbm4b:s22+s2], $0x80, $0x38;
	[tilespmem:$0xB400] =	vst v63  }
0x1b9: {  	s22 =	sadd.s32 $0x186A880, s23  }
0x1ba: {  	s22 =	sshrl.u32 s22, $0x3  }
0x1bb: {  	s24 =	sadd.s32 $0x3500, s21;
	s22 =	sadd.s32 s3, s22;
	s23 =	spop (v2sf);
	(v2sf) =	vpush v0, $0x9  }
0x1bc: {  	[tilespmem:s24], [sflag:$0x1] =	stream.linear.gather [hbm4b:s22+s2], $0x80, $0x38;
	[tilespmem:$0xB400] =	vst v63  }
0x1bd: {  	s22 =	sadd.s32 $0x249FC80, s25  }
0x1be: {  	s22 =	sshrl.u32 s22, $0x3  }
0x1bf: {  	s26 =	sadd.s32 $0x3580, s21;
	s22 =	sadd.s32 s3, s22  }
0x1c0: {  	[tilespmem:s26], [sflag:$0x1] =	stream.linear.gather [hbm4b:s22+s2], $0x80, $0x38;
	[tilespmem:$0xB400] =	vst v63  }
0x1c1: {  	s25 =	spop (v2sf);
	(v2sf) =	vpush v0, $0xA  }
0x1c2: {  	s22 =	sadd.s32 $0x30D5080, s28  }
0x1c3: {  	s22 =	sshrl.u32 s22, $0x3  }
0x1c4: {  	s29 =	sadd.s32 $0x3600, s21;
	s22 =	sadd.s32 s3, s22  }
0x1c5: {  	[tilespmem:s29], [sflag:$0x1] =	stream.linear.gather [hbm4b:s22+s2], $0x80, $0x38;
	[tilespmem:$0xB400] =	vst v63  }
0x1c6: {  	s22 =	sadd.s32 $0x3D0A480, s30;
	s28 =	spop (v2sf);
	(v2sf) =	vpush v0, $0xB  }
0x1c7: {  	s22 =	sshrl.u32 s22, $0x3  }
0x1c8: {  	s31 =	sadd.s32 $0x3680, s21;
	s22 =	sadd.s32 s3, s22  }
0x1c9: {  	[tilespmem:s31], [sflag:$0x1] =	stream.linear.gather [hbm4b:s22+s2], $0x80, $0x38;
	[tilespmem:$0xB400] =	vst v63  }
0x1ca: {  	s30 =	spop (v2sf);
	(v2sf) =	vpush v0, $0xC  }
0x1cb: {  	s22 =	sadd.s32 $0x493F880, s23  }
0x1cc: {  	s22 =	sshrl.u32 s22, $0x3  }
0x1cd: {  	s24 =	sadd.s32 $0x3700, s21;
	s22 =	sadd.s32 s3, s22  }
0x1ce: {  	[tilespmem:s24], [sflag:$0x1] =	stream.linear.gather [hbm4b:s22+s2], $0x80, $0x38;
	[tilespmem:$0xB400] =	vst v63  }
0x1cf: {  	s22 =	sadd.s32 $0x5574C80, s25  }
0x1d0: {  	s22 =	sshrl.u32 s22, $0x3;
	s23 =	spop (v2sf);
	(v2sf) =	vpush v0, $0xD  }
0x1d1: {  	s26 =	sadd.s32 $0x3780, s21;
	s22 =	sadd.s32 s3, s22  }
0x1d2: {  	[tilespmem:s26], [sflag:$0x1] =	stream.linear.gather [hbm4b:s22+s2], $0x80, $0x38;
	[tilespmem:$0xB400] =	vst v63  }
0x1d3: {  	s22 =	sadd.s32 $0x61AA080, s28  }
0x1d4: {  	s22 =	sshrl.u32 s22, $0x3  }
0x1d5: {  	s29 =	sadd.s32 $0x3800, s21;
	s22 =	sadd.s32 s3, s22;
	s25 =	spop (v2sf);
	(v2sf) =	vpush v0, $0xE  }
0x1d6: {  	[tilespmem:s29], [sflag:$0x1] =	stream.linear.gather [hbm4b:s22+s2], $0x80, $0x38;
	[tilespmem:$0xB400] =	vst v63  }
0x1d7: {  	s22 =	sadd.s32 $0x6DDF480, s30  }
0x1d8: {  	s22 =	sshrl.u32 s22, $0x3  }
0x1d9: {  	s31 =	sadd.s32 $0x3880, s21;
	s22 =	sadd.s32 s3, s22;
	s28 =	spop (v2sf);
	(v2sf) =	vpush v0, $0xF  }
0x1da: {  	[tilespmem:s31], [sflag:$0x1] =	stream.linear.gather [hbm4b:s22+s2], $0x80, $0x38;
	[tilespmem:$0xB400] =	vst v63  }
0x1db: {  	s22 =	sadd.s32 $0x7A14880, s23  }
0x1dc: {  	s22 =	sshrl.u32 s22, $0x3  }
0x1dd: {  	s24 =	sadd.s32 $0x3900, s21;
	s22 =	sadd.s32 s3, s22  }
0x1de: {  	v60 =	vshll.u32 v59, $0x7;
	[tilespmem:s24], [sflag:$0x1] =	stream.linear.gather [hbm4b:s22+s2], $0x80, $0x38;
	[tilespmem:$0xB400] =	vst v63  }
0x1df: {  	s30 =	spop (v2sf);
	(v2sf) =	vpush v60, $0x6  }
0x1e0: {  	s22 =	sadd.s32 $0x8649C80, s25  }
0x1e1: {  	s22 =	sshrl.u32 s22, $0x3  }
0x1e2: {  	s26 =	sadd.s32 $0x3980, s21;
	s22 =	sadd.s32 s3, s22  }
0x1e3: {  	[tilespmem:s26], [sflag:$0x1] =	stream.linear.gather [hbm4b:s22+s2], $0x80, $0x38;
	[tilespmem:$0xB400] =	vst v63  }
0x1e4: {  	s22 =	sadd.s32 $0x927F080, s28;
	s23 =	spop (v2sf);
	(v2sf) =	vpush v60, $0x7  }
0x1e5: {  	s22 =	sshrl.u32 s22, $0x3  }
0x1e6: {  	s29 =	sadd.s32 $0x3A00, s21;
	s22 =	sadd.s32 s3, s22  }
0x1e7: {  	[tilespmem:s29], [sflag:$0x1] =	stream.linear.gather [hbm4b:s22+s2], $0x80, $0x38;
	[tilespmem:$0xB400] =	vst v63  }
0x1e8: {  	s25 =	spop (v2sf);
	(v2sf) =	vpush v60, $0x8  }
0x1e9: {  	s22 =	sadd.s32 $0x9EB4480, s30  }
0x1ea: {  	s22 =	sshrl.u32 s22, $0x3  }
0x1eb: {  	s31 =	sadd.s32 $0x3A80, s21;
	s22 =	sadd.s32 s3, s22  }
0x1ec: {  	[tilespmem:s31], [sflag:$0x1] =	stream.linear.gather [hbm4b:s22+s2], $0x80, $0x38;
	[tilespmem:$0xB400] =	vst v63  }
0x1ed: {  	s22 =	sadd.s32 $0xAAE9880, s23  }
0x1ee: {  	s22 =	sshrl.u32 s22, $0x3;
	s28 =	spop (v2sf);
	(v2sf) =	vpush v60, $0x9  }
0x1ef: {  	s24 =	sadd.s32 $0x3B00, s21;
	s22 =	sadd.s32 s3, s22  }
0x1f0: {  	[tilespmem:s24], [sflag:$0x1] =	stream.linear.gather [hbm4b:s22+s2], $0x80, $0x38;
	[tilespmem:$0xB400] =	vst v63  }
0x1f1: {  	s22 =	sadd.s32 $0xB71EC80, s25  }
0x1f2: {  	s22 =	sshrl.u32 s22, $0x3  }
0x1f3: {  	s26 =	sadd.s32 $0x3B80, s21;
	s22 =	sadd.s32 s3, s22;
	s30 =	spop (v2sf);
	(v2sf) =	vpush v60, $0xA  }
0x1f4: {  	[tilespmem:s26], [sflag:$0x1] =	stream.linear.gather [hbm4b:s22+s2], $0x80, $0x38;
	[tilespmem:$0xB400] =	vst v63  }
0x1f5: {  	s22 =	sadd.s32 $0xC354080, s28  }
0x1f6: {  	s22 =	sshrl.u32 s22, $0x3  }
0x1f7: {  	s29 =	sadd.s32 $0x3C00, s21;
	s22 =	sadd.s32 s3, s22;
	s23 =	spop (v2sf);
	(v2sf) =	vpush v60, $0xB  }
0x1f8: {  	[tilespmem:s29], [sflag:$0x1] =	stream.linear.gather [hbm4b:s22+s2], $0x80, $0x38;
	[tilespmem:$0xB400] =	vst v63  }
0x1f9: {  	s22 =	sadd.s32 $0xCF89480, s30  }
0x1fa: {  	s22 =	sshrl.u32 s22, $0x3  }
0x1fb: {  	s31 =	sadd.s32 $0x3C80, s21;
	s22 =	sadd.s32 s3, s22  }
0x1fc: {  	[tilespmem:s31], [sflag:$0x1] =	stream.linear.gather [hbm4b:s22+s2], $0x80, $0x38;
	[tilespmem:$0xB400] =	vst v63  }
0x1fd: {  	s25 =	spop (v2sf);
	(v2sf) =	vpush v60, $0xC  }
0x1fe: {  	s22 =	sadd.s32 $0xDBBE880, s23  }
0x1ff: {  	s22 =	sshrl.u32 s22, $0x3  }
0x200: {  	s24 =	sadd.s32 $0x3D00, s21;
	s22 =	sadd.s32 s3, s22  }
0x201: {  	[tilespmem:s24], [sflag:$0x1] =	stream.linear.gather [hbm4b:s22+s2], $0x80, $0x38;
	[tilespmem:$0xB400] =	vst v63  }
0x202: {  	s22 =	sadd.s32 $0xE7F3C80, s25;
	s28 =	spop (v2sf);
	(v2sf) =	vpush v60, $0xD  }
0x203: {  	s22 =	sshrl.u32 s22, $0x3  }
0x204: {  	s26 =	sadd.s32 $0x3D80, s21;
	s22 =	sadd.s32 s3, s22  }
0x205: {  	[tilespmem:s26], [sflag:$0x1] =	stream.linear.gather [hbm4b:s22+s2], $0x80, $0x38;
	[tilespmem:$0xB400] =	vst v63  }
0x206: {  	s30 =	spop (v2sf);
	(v2sf) =	vpush v60, $0xE  }
0x207: {  	s22 =	sadd.s32 $0xF429080, s28  }
0x208: {  	s22 =	sshrl.u32 s22, $0x3  }
0x209: {  	s29 =	sadd.s32 $0x3E00, s21;
	s22 =	sadd.s32 s3, s22  }
0x20a: {  	[tilespmem:s29], [sflag:$0x1] =	stream.linear.gather [hbm4b:s22+s2], $0x80, $0x38;
	[tilespmem:$0xB400] =	vst v63  }
0x20b: {  	s22 =	sadd.s32 $0x1005E480, s30  }
0x20c: {  	s22 =	sshrl.u32 s22, $0x3;
	s24 =	spop (v2sf);
	(v2sf) =	vpush v60, $0xF  }
0x20d: {  	s31 =	sadd.s32 $0x3E80, s21;
	s22 =	sadd.s32 s3, s22  }
0x20e: {  	[tilespmem:s31], [sflag:$0x1] =	stream.linear.gather [hbm4b:s22+s2], $0x80, $0x38;
	[tilespmem:$0xB400] =	vst v63  }
0x20f: {  	s22 =	sadd.s32 $0x10C93880, s24  }
0x210: {  	s22 =	sshrl.u32 s22, $0x3  }
0x211: {  	s25 =	sadd.s32 $0x3F00, s21;
	s22 =	sadd.s32 s3, s22;
	s26 =	spop (v2sf)  }
0x212: {  	[tilespmem:s25], [sflag:$0x1] =	stream.linear.gather [hbm4b:s22+s2], $0x80, $0x38;
	[tilespmem:$0xB400] =	vst v63  }
0x213: {  	s22 =	sadd.s32 $0x118C8C80, s26  }
0x214: {  	s22 =	sshrl.u32 s22, $0x3  }
0x215: {  	s28 =	sadd.s32 $0x3F80, s21;
	s29 =	spop (v2sf);
	s22 =	sadd.s32 s3, s22  }
0x216: {  	[tilespmem:s28], [sflag:$0x1] =	stream.linear.gather [hbm4b:s22+s2], $0x80, $0x38;
	[tilespmem:$0xB400] =	vst v63  }
0x217: {  	s22 =	sadd.s32 $0x124FE080, s29  }
0x218: {  	s22 =	sshrl.u32 s22, $0x3  }
0x219: {  	s30 =	sadd.s32 $0x4000, s21;
	s22 =	sadd.s32 s3, s22  }
0x21a: {  	[tilespmem:s30], [sflag:$0x1] =	stream.linear.gather [hbm4b:s22+s2], $0x80, $0x38;
	[tilespmem:$0xB400] =	vst v63  }
0x21b: {  	s31 =	spop (v2sf)  }
0x21c: {  	s22 =	sadd.s32 $0x13133480, s31  }
0x21d: {  	s22 =	sshrl.u32 s22, $0x3  }
0x21e: {  	s21 =	sadd.s32 $0x4080, s21;
	s22 =	sadd.s32 s3, s22  }
0x21f: {  	[tilespmem:s21], [sflag:$0x1] =	stream.linear.gather [hbm4b:s22+s2], $0x80, $0x38;
	[tilespmem:$0xB400] =	vst v63  }
0x220: {  	_ =	swait.ge [sflag:s8], $0x80  }
0x221: {  	[sflag:s8] =	ssyncset.done $0x0  }
0x222: {  	[sflag:s8] =	ssyncadd.s32 $0xFFFFFF80  }
0x223: {  	_ =	swait.ge [sflag:s8], $0x80  }
0x224: {  	[sflag:s8] =	ssyncset.done $0x0  }
0x225: {  	[sflag:s8] =	ssyncadd.s32 $0xFFFFFF80  }
0x226: {  	_ =	swait.ge [sflag:s8], $0x80  }
0x227: {  	[sflag:s8] =	ssyncset.done $0x0  }
0x228: {  	[sflag:s8] =	ssyncadd.s32 $0xFFFFFF80  }
0x229: {  	_ =	swait.ge [sflag:s8], $0x80  }
0x22a: {  	[sflag:s8] =	ssyncset.done $0x0  }
0x22b: {  	[sflag:s8] =	ssyncadd.s32 $0xFFFFFF80  }
0x22c: {  	_ =	swait.ge [sflag:s8], $0x80  }
0x22d: {  	[sflag:s8] =	ssyncset.done $0x0  }
0x22e: {  	[sflag:s8] =	ssyncadd.s32 $0xFFFFFF80  }
0x22f: {  	_ =	swait.ge [sflag:s8], $0x80  }
0x230: {  	[sflag:s8] =	ssyncset.done $0x0  }
0x231: {  	[sflag:s8] =	ssyncadd.s32 $0xFFFFFF80  }
0x232: {  	_ =	swait.ge [sflag:s8], $0x80  }
0x233: {  	[sflag:s8] =	ssyncset.done $0x0  }
0x234: {  	[sflag:s8] =	ssyncadd.s32 $0xFFFFFF80  }
0x235: {  	_ =	swait.ge [sflag:s8], $0x80  }
0x236: {  	[sflag:s8] =	ssyncset.done $0x0  }
0x237: {  	[sflag:s8] =	ssyncadd.s32 $0xFFFFFF80  }
0x238: {  	_ =	swait.ge [sflag:s8], $0x80  }
0x239: {  	[sflag:s8] =	ssyncset.done $0x0  }
0x23a: {  	[sflag:s8] =	ssyncadd.s32 $0xFFFFFF80  }
0x23b: {  	_ =	swait.ge [sflag:s8], $0x80  }
0x23c: {  	[sflag:s8] =	ssyncset.done $0x0  }
0x23d: {  	[sflag:s8] =	ssyncadd.s32 $0xFFFFFF80  }
0x23e: {  	_ =	swait.ge [sflag:s8], $0x80  }
0x23f: {  	[sflag:s8] =	ssyncset.done $0x0  }
0x240: {  	[sflag:s8] =	ssyncadd.s32 $0xFFFFFF80  }
0x241: {  	_ =	swait.ge [sflag:s8], $0x80  }
0x242: {  	[sflag:s8] =	ssyncset.done $0x0  }
0x243: {  	[sflag:s8] =	ssyncadd.s32 $0xFFFFFF80  }
0x244: {  	_ =	swait.ge [sflag:s8], $0x80  }
0x245: {  	[sflag:s8] =	ssyncset.done $0x0  }
0x246: {  	[sflag:s8] =	ssyncadd.s32 $0xFFFFFF80  }
0x247: {  	_ =	swait.ge [sflag:s8], $0x80  }
0x248: {  	[sflag:s8] =	ssyncset.done $0x0  }
0x249: {  	[sflag:s8] =	ssyncadd.s32 $0xFFFFFF80  }
0x24a: {  	_ =	swait.ge [sflag:s8], $0x80  }
0x24b: {  	[sflag:s8] =	ssyncset.done $0x0  }
0x24c: {  	[sflag:s8] =	ssyncadd.s32 $0xFFFFFF80  }
0x24d: {  	_ =	swait.ge [sflag:s8], $0x80  }
0x24e: {  	[sflag:s8] =	ssyncset.done $0x0  }
0x24f: {  	[sflag:s8] =	ssyncadd.s32 $0xFFFFFF80  }
0x250: {  	_ =	swait.ge [sflag:s8], $0x80  }
0x251: {  	[sflag:s8] =	ssyncset.done $0x0  }
0x252: {  	[sflag:s8] =	ssyncadd.s32 $0xFFFFFF80  }
0x253: {  	_ =	swait.ge [sflag:s8], $0x80  }
0x254: {  	[sflag:s8] =	ssyncset.done $0x0  }
0x255: {  	[sflag:s8] =	ssyncadd.s32 $0xFFFFFF80  }
0x256: {  	_ =	swait.ge [sflag:s8], $0x80  }
0x257: {  	[sflag:s8] =	ssyncset.done $0x0  }
0x258: {  	[sflag:s8] =	ssyncadd.s32 $0xFFFFFF80  }
0x259: {  	_ =	swait.ge [sflag:s8], $0x80  }
0x25a: {  	[sflag:s8] =	ssyncset.done $0x0  }
0x25b: {  	[sflag:s8] =	ssyncadd.s32 $0xFFFFFF80  }
0x25c: {  	_ =	swait.ge [sflag:s8], $0x80  }
0x25d: {  	[sflag:s8] =	ssyncset.done $0x0  }
0x25e: {  	[sflag:s8] =	ssyncadd.s32 $0xFFFFFF80  }
0x25f: {  	_ =	swait.ge [sflag:s8], $0x80  }
0x260: {  	[sflag:s8] =	ssyncset.done $0x0  }
0x261: {  	[sflag:s8] =	ssyncadd.s32 $0xFFFFFF80  }
0x262: {  	_ =	swait.ge [sflag:s8], $0x80  }
0x263: {  	[sflag:s8] =	ssyncset.done $0x0  }
0x264: {  	[sflag:s8] =	ssyncadd.s32 $0xFFFFFF80  }
0x265: {  	_ =	swait.ge [sflag:s8], $0x80  }
0x266: {  	[sflag:s8] =	ssyncset.done $0x0  }
0x267: {  	[sflag:s8] =	ssyncadd.s32 $0xFFFFFF80  }
0x268: {  	_ =	swait.ge [sflag:s8], $0x80  }
0x269: {  	s23 =	sor.u32 $0x3, s20;
	[sflag:s8] =	ssyncset.done $0x0  }
0x26a: {  	s24 =	sor.u32 s19, s23;
	[sflag:s8] =	ssyncadd.s32 $0xFFFFFF80  }
0x26b: {  	s21 =	smul.u32 $0x68, s24;
	_ =	swait.ge [sflag:s8], $0x80  }
0x26c: {  	[sflag:s8] =	ssyncset.done $0x0  }
0x26d: {  	s21 =	sshra.s32 s21, $0x2;
	[sflag:s8] =	ssyncadd.s32 $0xFFFFFF80  }
0x26e: {  	v61 =	vld [tilespmem:s21+$0x0];
	_ =	sdelay $0x4  }
0x26f: {  	v0 =	vshll.u32 v61, $0x7  }
0x270: {  	(v2sf) =	vpush v0, $0x0;
	_ =	sdelay $0x2  }
0x271: {  	(v2sf) =	vpush v0, $0x1;
	_ =	sdelay $0x3  }
0x272: {  	(v2sf) =	vpush v0, $0x2;
	_ =	sdelay $0x7  }
0x273: {  	s25 =	spop (v2sf);
	(v2sf) =	vpush v0, $0x3;
	_ =	sdelay $0x2  }
0x274: {  	s28 =	spop (v2sf);
	(v2sf) =	vpush v0, $0x4;
	_ =	sdelay $0x3  }
0x275: {  	s30 =	spop (v2sf);
	(v2sf) =	vpush v0, $0x5;
	_ =	sdelay $0x7  }
0x276: {  	s20 =	sshll.u32 s23, $0xC;
	s23 =	spop (v2sf);
	(v2sf) =	vpush v0, $0x6;
	_ =	sdelay $0x2  }
0x277: {  	s22 =	sadd.s32 $0x80, s25;
	s25 =	spop (v2sf);
	(v2sf) =	vpush v0, $0x7  }
0x278: {  	s20 =	sand.u32 $0x3FFFF000, s20;
	s22 =	sshrl.u32 s22, $0x3  }
0x279: {  	s26 =	sadd.s32 $0x3400, s20;
	v62 =	vld [tilespmem:s21+$0xA];
	s21 =	sadd.s32 $0xC35480, s28;
	s22 =	sadd.s32 s3, s22  }
0x27a: {  	[tilespmem:s26], [sflag:$0x1] =	stream.linear.gather [hbm4b:s22+s2], $0x80, $0x38;
	[tilespmem:$0xB400] =	vst v63  }
0x27b: {  	s21 =	sshrl.u32 s21, $0x3;
	s28 =	spop (v2sf);
	(v2sf) =	vpush v0, $0x8  }
0x27c: {  	s29 =	sadd.s32 $0x3480, s20;
	s21 =	sadd.s32 s3, s21  }
0x27d: {  	[tilespmem:s29], [sflag:$0x1] =	stream.linear.gather [hbm4b:s21+s2], $0x80, $0x38;
	[tilespmem:$0xB400] =	vst v63  }
0x27e: {  	s21 =	sadd.s32 $0x186A880, s30  }
0x27f: {  	s21 =	sshrl.u32 s21, $0x3  }
0x280: {  	s31 =	sadd.s32 $0x3500, s20;
	s21 =	sadd.s32 s3, s21  }
0x281: {  	[tilespmem:s31], [sflag:$0x1] =	stream.linear.gather [hbm4b:s21+s2], $0x80, $0x38;
	[tilespmem:$0xB400] =	vst v63  }
0x282: {  	s21 =	sadd.s32 $0x249FC80, s23  }
0x283: {  	s21 =	sshrl.u32 s21, $0x3;
	s30 =	spop (v2sf);
	(v2sf) =	vpush v0, $0x9  }
0x284: {  	s24 =	sadd.s32 $0x3580, s20;
	s21 =	sadd.s32 s3, s21  }
0x285: {  	[tilespmem:s24], [sflag:$0x1] =	stream.linear.gather [hbm4b:s21+s2], $0x80, $0x38;
	[tilespmem:$0xB400] =	vst v63  }
0x286: {  	s21 =	sadd.s32 $0x30D5080, s25;
	s23 =	spop (v2sf);
	(v2sf) =	vpush v0, $0xA  }
0x287: {  	s21 =	sshrl.u32 s21, $0x3  }
0x288: {  	s26 =	sadd.s32 $0x3600, s20;
	s21 =	sadd.s32 s3, s21  }
0x289: {  	[tilespmem:s26], [sflag:$0x1] =	stream.linear.gather [hbm4b:s21+s2], $0x80, $0x38;
	[tilespmem:$0xB400] =	vst v63  }
0x28a: {  	s21 =	sadd.s32 $0x3D0A480, s28;
	s25 =	spop (v2sf);
	(v2sf) =	vpush v0, $0xB  }
0x28b: {  	s21 =	sshrl.u32 s21, $0x3  }
0x28c: {  	s29 =	sadd.s32 $0x3680, s20;
	s21 =	sadd.s32 s3, s21  }
0x28d: {  	[tilespmem:s29], [sflag:$0x1] =	stream.linear.gather [hbm4b:s21+s2], $0x80, $0x38;
	[tilespmem:$0xB400] =	vst v63  }
0x28e: {  	s21 =	sadd.s32 $0x493F880, s30  }
0x28f: {  	s21 =	sshrl.u32 s21, $0x3  }
0x290: {  	s31 =	sadd.s32 $0x3700, s20;
	s21 =	sadd.s32 s3, s21  }
0x291: {  	[tilespmem:s31], [sflag:$0x1] =	stream.linear.gather [hbm4b:s21+s2], $0x80, $0x38;
	[tilespmem:$0xB400] =	vst v63  }
0x292: {  	s28 =	spop (v2sf);
	(v2sf) =	vpush v0, $0xC  }
0x293: {  	s21 =	sadd.s32 $0x5574C80, s23  }
0x294: {  	s21 =	sshrl.u32 s21, $0x3  }
0x295: {  	s24 =	sadd.s32 $0x3780, s20;
	s21 =	sadd.s32 s3, s21;
	s30 =	spop (v2sf);
	(v2sf) =	vpush v0, $0xD  }
0x296: {  	[tilespmem:s24], [sflag:$0x1] =	stream.linear.gather [hbm4b:s21+s2], $0x80, $0x38;
	[tilespmem:$0xB400] =	vst v63  }
0x297: {  	s21 =	sadd.s32 $0x61AA080, s25  }
0x298: {  	s21 =	sshrl.u32 s21, $0x3  }
0x299: {  	s26 =	sadd.s32 $0x3800, s20;
	s21 =	sadd.s32 s3, s21;
	s23 =	spop (v2sf);
	(v2sf) =	vpush v0, $0xE  }
0x29a: {  	[tilespmem:s26], [sflag:$0x1] =	stream.linear.gather [hbm4b:s21+s2], $0x80, $0x38;
	[tilespmem:$0xB400] =	vst v63  }
0x29b: {  	s21 =	sadd.s32 $0x6DDF480, s28  }
0x29c: {  	s21 =	sshrl.u32 s21, $0x3  }
0x29d: {  	s29 =	sadd.s32 $0x3880, s20;
	s21 =	sadd.s32 s3, s21  }
0x29e: {  	[tilespmem:s29], [sflag:$0x1] =	stream.linear.gather [hbm4b:s21+s2], $0x80, $0x38;
	[tilespmem:$0xB400] =	vst v63  }
0x29f: {  	s21 =	sadd.s32 $0x7A14880, s30  }
0x2a0: {  	s21 =	sshrl.u32 s21, $0x3  }
0x2a1: {  	s31 =	sadd.s32 $0x3900, s20;
	s21 =	sadd.s32 s3, s21;
	s25 =	spop (v2sf);
	(v2sf) =	vpush v0, $0xF  }
0x2a2: {  	[tilespmem:s31], [sflag:$0x1] =	stream.linear.gather [hbm4b:s21+s2], $0x80, $0x38;
	[tilespmem:$0xB400] =	vst v63  }
0x2a3: {  	v63 =	vshll.u32 v62, $0x7;
	s21 =	sadd.s32 $0x8649C80, s23  }
0x2a4: {  	s21 =	sshrl.u32 s21, $0x3;
	s28 =	spop (v2sf);
	(v2sf) =	vpush v63, $0x6  }
0x2a5: {  	s24 =	sadd.s32 $0x3980, s20;
	s21 =	sadd.s32 s3, s21  }
0x2a6: {  	[tilespmem:s24], [sflag:$0x1] =	stream.linear.gather [hbm4b:s21+s2], $0x80, $0x38;
	[tilespmem:$0xB400] =	vst v63  }
0x2a7: {  	s21 =	sadd.s32 $0x927F080, s25  }
0x2a8: {  	s21 =	sshrl.u32 s21, $0x3;
	s30 =	spop (v2sf);
	(v2sf) =	vpush v63, $0x7  }
0x2a9: {  	s26 =	sadd.s32 $0x3A00, s20;
	s21 =	sadd.s32 s3, s21  }
0x2aa: {  	[tilespmem:s26], [sflag:$0x1] =	stream.linear.gather [hbm4b:s21+s2], $0x80, $0x38;
	[tilespmem:$0xB400] =	vst v63  }
0x2ab: {  	s21 =	sadd.s32 $0x9EB4480, s28  }
0x2ac: {  	s21 =	sshrl.u32 s21, $0x3  }
0x2ad: {  	s29 =	sadd.s32 $0x3A80, s20;
	s21 =	sadd.s32 s3, s21  }
0x2ae: {  	[tilespmem:s29], [sflag:$0x1] =	stream.linear.gather [hbm4b:s21+s2], $0x80, $0x38;
	[tilespmem:$0xB400] =	vst v63  }
0x2af: {  	s21 =	sadd.s32 $0xAAE9880, s30  }
0x2b0: {  	s21 =	sshrl.u32 s21, $0x3;
	s23 =	spop (v2sf);
	(v2sf) =	vpush v63, $0x8  }
0x2b1: {  	s31 =	sadd.s32 $0x3B00, s20;
	s21 =	sadd.s32 s3, s21  }
0x2b2: {  	[tilespmem:s31], [sflag:$0x1] =	stream.linear.gather [hbm4b:s21+s2], $0x80, $0x38;
	[tilespmem:$0xB400] =	vst v63  }
0x2b3: {  	s21 =	sadd.s32 $0xB71EC80, s23;
	s25 =	spop (v2sf);
	(v2sf) =	vpush v63, $0x9  }
0x2b4: {  	s21 =	sshrl.u32 s21, $0x3  }
0x2b5: {  	s24 =	sadd.s32 $0x3B80, s20;
	s21 =	sadd.s32 s3, s21  }
0x2b6: {  	[tilespmem:s24], [sflag:$0x1] =	stream.linear.gather [hbm4b:s21+s2], $0x80, $0x38;
	[tilespmem:$0xB400] =	vst v63  }
0x2b7: {  	s28 =	spop (v2sf);
	(v2sf) =	vpush v63, $0xA;
	s21 =	sadd.s32 $0xC354080, s25  }
0x2b8: {  	s21 =	sshrl.u32 s21, $0x3  }
0x2b9: {  	s26 =	sadd.s32 $0x3C00, s20;
	s21 =	sadd.s32 s3, s21  }
0x2ba: {  	[tilespmem:s26], [sflag:$0x1] =	stream.linear.gather [hbm4b:s21+s2], $0x80, $0x38;
	[tilespmem:$0xB400] =	vst v63  }
0x2bb: {  	(v2sf) =	vpush v63, $0xB;
	s21 =	sadd.s32 $0xCF89480, s28  }
0x2bc: {  	s21 =	sshrl.u32 s21, $0x3  }
0x2bd: {  	s29 =	sadd.s32 $0x3C80, s20;
	s21 =	sadd.s32 s3, s21  }
0x2be: {  	[tilespmem:s29], [sflag:$0x1] =	stream.linear.gather [hbm4b:s21+s2], $0x80, $0x38;
	[tilespmem:$0xB400] =	vst v63  }
0x2bf: {  	s30 =	spop (v2sf)  }
0x2c0: {  	s21 =	sadd.s32 $0xDBBE880, s30  }
0x2c1: {  	(v2sf) =	vpush v63, $0xC;
	s21 =	sshrl.u32 s21, $0x3  }
0x2c2: {  	s31 =	sadd.s32 $0x3D00, s20;
	s22 =	spop (v2sf);
	s21 =	sadd.s32 s3, s21  }
0x2c3: {  	(v2sf) =	vpush v63, $0xD;
	[tilespmem:s31], [sflag:$0x1] =	stream.linear.gather [hbm4b:s21+s2], $0x80, $0x38;
	[tilespmem:$0xB400] =	vst v63  }
0x2c4: {  	s21 =	sadd.s32 $0xE7F3C80, s22  }
0x2c5: {  	s21 =	sshrl.u32 s21, $0x3  }
0x2c6: {  	s23 =	sadd.s32 $0x3D80, s20;
	s24 =	spop (v2sf);
	(v2sf) =	vpush v63, $0xE;
	s21 =	sadd.s32 s3, s21  }
0x2c7: {  	[tilespmem:s23], [sflag:$0x1] =	stream.linear.gather [hbm4b:s21+s2], $0x80, $0x38;
	[tilespmem:$0xB400] =	vst v63  }
0x2c8: {  	s21 =	sadd.s32 $0xF429080, s24  }
0x2c9: {  	s21 =	sshrl.u32 s21, $0x3  }
0x2ca: {  	s25 =	sadd.s32 $0x3E00, s20;
	s26 =	spop (v2sf);
	(v2sf) =	vpush v63, $0xF;
	s21 =	sadd.s32 s3, s21  }
0x2cb: {  	[tilespmem:s25], [sflag:$0x1] =	stream.linear.gather [hbm4b:s21+s2], $0x80, $0x38;
	[tilespmem:$0xB400] =	vst v63  }
0x2cc: {  	s21 =	sadd.s32 $0x1005E480, s26  }
0x2cd: {  	s21 =	sshrl.u32 s21, $0x3  }
0x2ce: {  	s29 =	sadd.s32 $0x3E80, s20;
	s21 =	sadd.s32 s3, s21  }
0x2cf: {  	[tilespmem:s29], [sflag:$0x1] =	stream.linear.gather [hbm4b:s21+s2], $0x80, $0x38;
	[tilespmem:$0xB400] =	vst v63  }
0x2d0: {  	s28 =	spop (v2sf)  }
0x2d1: {  	s30 =	sadd.s32 $0x10C93880, s28  }
0x2d2: {  	s31 =	spop (v2sf);
	s21 =	sshrl.u32 s30, $0x3  }
0x2d3: {  	s24 =	sadd.s32 $0x3F00, s20;
	s25 =	sadd.s32 $0x118C8C80, s31;
	s21 =	sadd.s32 s3, s21  }
0x2d4: {  	[tilespmem:s24], [sflag:$0x1] =	stream.linear.gather [hbm4b:s21+s2], $0x80, $0x38;
	[tilespmem:$0xB400] =	vst v63  }
0x2d5: {  	s26 =	spop (v2sf);
	s21 =	sshrl.u32 s25, $0x3  }
0x2d6: {  	s28 =	sadd.s32 $0x3F80, s20;
	s29 =	sadd.s32 $0x124FE080, s26;
	s21 =	sadd.s32 s3, s21  }
0x2d7: {  	[tilespmem:s28], [sflag:$0x1] =	stream.linear.gather [hbm4b:s21+s2], $0x80, $0x38;
	[tilespmem:$0xB400] =	vst v63  }
0x2d8: {  	s21 =	sshrl.u32 s29, $0x3  }
0x2d9: {  	s30 =	sadd.s32 $0x4000, s20;
	s31 =	spop (v2sf);
	s21 =	sadd.s32 s3, s21  }
0x2da: {  	[tilespmem:s30], [sflag:$0x1] =	stream.linear.gather [hbm4b:s21+s2], $0x80, $0x38;
	[tilespmem:$0xB400] =	vst v63  }
0x2db: {  	s21 =	sadd.s32 $0x13133480, s31  }
0x2dc: {  	s21 =	sshrl.u32 s21, $0x3  }
0x2dd: {  	s20 =	sadd.s32 $0x4080, s20;
	s21 =	sadd.s32 s3, s21  }
0x2de: {  	[tilespmem:s20], [sflag:$0x1] =	stream.linear.gather [hbm4b:s21+s2], $0x80, $0x38;
	[tilespmem:$0xB400] =	vst v63  }
0x2df: {  	_ =	swait.ge [sflag:s8], $0x80  }
0x2e0: {  	[sflag:s8] =	ssyncset.done $0x0  }
0x2e1: {  	[sflag:s8] =	ssyncadd.s32 $0xFFFFFF80  }
0x2e2: {  	_ =	swait.ge [sflag:s8], $0x80  }
0x2e3: {  	[sflag:s8] =	ssyncset.done $0x0  }
0x2e4: {  	[sflag:s8] =	ssyncadd.s32 $0xFFFFFF80  }
0x2e5: {  	_ =	swait.ge [sflag:s8], $0x80  }
0x2e6: {  	[sflag:s8] =	ssyncset.done $0x0  }
0x2e7: {  	[sflag:s8] =	ssyncadd.s32 $0xFFFFFF80  }
0x2e8: {  	_ =	swait.ge [sflag:s8], $0x80  }
0x2e9: {  	[sflag:s8] =	ssyncset.done $0x0  }
0x2ea: {  	[sflag:s8] =	ssyncadd.s32 $0xFFFFFF80  }
0x2eb: {  	_ =	swait.ge [sflag:s8], $0x80  }
0x2ec: {  	[sflag:s8] =	ssyncset.done $0x0  }
0x2ed: {  	[sflag:s8] =	ssyncadd.s32 $0xFFFFFF80  }
0x2ee: {  	_ =	swait.ge [sflag:s8], $0x80  }
0x2ef: {  	[sflag:s8] =	ssyncset.done $0x0  }
0x2f0: {  	[sflag:s8] =	ssyncadd.s32 $0xFFFFFF80  }
0x2f1: {  	_ =	swait.ge [sflag:s8], $0x80  }
0x2f2: {  	[sflag:s8] =	ssyncset.done $0x0  }
0x2f3: {  	[sflag:s8] =	ssyncadd.s32 $0xFFFFFF80  }
0x2f4: {  	_ =	swait.ge [sflag:s8], $0x80  }
0x2f5: {  	[sflag:s8] =	ssyncset.done $0x0  }
0x2f6: {  	[sflag:s8] =	ssyncadd.s32 $0xFFFFFF80  }
0x2f7: {  	_ =	swait.ge [sflag:s8], $0x80  }
0x2f8: {  	[sflag:s8] =	ssyncset.done $0x0  }
0x2f9: {  	[sflag:s8] =	ssyncadd.s32 $0xFFFFFF80  }
0x2fa: {  	_ =	swait.ge [sflag:s8], $0x80  }
0x2fb: {  	[sflag:s8] =	ssyncset.done $0x0  }
0x2fc: {  	[sflag:s8] =	ssyncadd.s32 $0xFFFFFF80  }
0x2fd: {  	_ =	swait.ge [sflag:s8], $0x80  }
0x2fe: {  	[sflag:s8] =	ssyncset.done $0x0  }
0x2ff: {  	[sflag:s8] =	ssyncadd.s32 $0xFFFFFF80  }
0x300: {  	_ =	swait.ge [sflag:s8], $0x80  }
0x301: {  	[sflag:s8] =	ssyncset.done $0x0  }
0x302: {  	[sflag:s8] =	ssyncadd.s32 $0xFFFFFF80  }
0x303: {  	_ =	swait.ge [sflag:s8], $0x80  }
0x304: {  	[sflag:s8] =	ssyncset.done $0x0  }
0x305: {  	[sflag:s8] =	ssyncadd.s32 $0xFFFFFF80  }
0x306: {  	_ =	swait.ge [sflag:s8], $0x80  }
0x307: {  	[sflag:s8] =	ssyncset.done $0x0  }
0x308: {  	[sflag:s8] =	ssyncadd.s32 $0xFFFFFF80  }
0x309: {  	_ =	swait.ge [sflag:s8], $0x80  }
0x30a: {  	[sflag:s8] =	ssyncset.done $0x0  }
0x30b: {  	[sflag:s8] =	ssyncadd.s32 $0xFFFFFF80  }
0x30c: {  	_ =	swait.ge [sflag:s8], $0x80  }
0x30d: {  	[sflag:s8] =	ssyncset.done $0x0  }
0x30e: {  	[sflag:s8] =	ssyncadd.s32 $0xFFFFFF80  }
0x30f: {  	_ =	swait.ge [sflag:s8], $0x80  }
0x310: {  	[sflag:s8] =	ssyncset.done $0x0  }
0x311: {  	[sflag:s8] =	ssyncadd.s32 $0xFFFFFF80  }
0x312: {  	_ =	swait.ge [sflag:s8], $0x80  }
0x313: {  	[sflag:s8] =	ssyncset.done $0x0  }
0x314: {  	[sflag:s8] =	ssyncadd.s32 $0xFFFFFF80  }
0x315: {  	_ =	swait.ge [sflag:s8], $0x80  }
0x316: {  	[sflag:s8] =	ssyncset.done $0x0  }
0x317: {  	[sflag:s8] =	ssyncadd.s32 $0xFFFFFF80  }
0x318: {  	_ =	swait.ge [sflag:s8], $0x80  }
0x319: {  	[sflag:s8] =	ssyncset.done $0x0  }
0x31a: {  	[sflag:s8] =	ssyncadd.s32 $0xFFFFFF80  }
0x31b: {  	_ =	swait.ge [sflag:s8], $0x80  }
0x31c: {  	[sflag:s8] =	ssyncset.done $0x0  }
0x31d: {  	[sflag:s8] =	ssyncadd.s32 $0xFFFFFF80  }
0x31e: {  	_ =	swait.ge [sflag:s8], $0x80  }
0x31f: {  	[sflag:s8] =	ssyncset.done $0x0  }
0x320: {  	[sflag:s8] =	ssyncadd.s32 $0xFFFFFF80  }
0x321: {  	_ =	swait.ge [sflag:s8], $0x80  }
0x322: {  	[sflag:s8] =	ssyncset.done $0x0  }
0x323: {  	[sflag:s8] =	ssyncadd.s32 $0xFFFFFF80  }
0x324: {  	_ =	swait.ge [sflag:s8], $0x80  }
0x325: {  	[sflag:s8] =	ssyncset.done $0x0  }
0x326: {  	[sflag:s8] =	ssyncadd.s32 $0xFFFFFF80  }
0x327: {  	p1 =	por p0, p0;
	_ =	swait.ge [sflag:s8], $0x80  }
.Ltmp0:
0x328: {  	[sflag:s8] =	ssyncset.done $0x0;
	(pc) =	sbr.rel @p1 .LBB2_3-.Ltmp0, $4  }
0x329: {  	[sflag:s8] =	ssyncadd.s32 $0xFFFFFF80  }
0x32a: {  	_ =	swait.ge [sflag:s8], $0x80  }
0x32b: {  	[sflag:s8] =	ssyncset.done $0x0  }
0x32c: {  	p0 =	por $0x0, $0x0;
	s20 =	simm.s32 $0x4;
	[sflag:s8] =	ssyncadd.s32 $0xFFFFFF80  }
0x32d: {  	s19 =	sshll.u32 s18, $0xC  }
0x32e: {  	s19 =	sadd.s32 s19, s5  }
0x32f: {  	[hbm4b:s19+s2] =	stream.linear.scatter [tilespmem:s9], [sflag:$0x2], $0xD00, $0x38;
	[tilespmem:$0xB400] =	vst v63  }
0x330: {  	s20 =	sadd.s32 $0x200, s19  }
0x331: {  	[hbm4b:s20+s2] =	stream.linear.scatter [tilespmem:s10], [sflag:$0x2], $0xD00, $0x38;
	[tilespmem:$0xB400] =	vst v63  }
0x332: {  	s26 =	sadd.s32 $0x400, s19  }
0x333: {  	[hbm4b:s26+s2] =	stream.linear.scatter [tilespmem:s11], [sflag:$0x2], $0xD00, $0x38;
	[tilespmem:$0xB400] =	vst v63  }
0x334: {  	s28 =	sadd.s32 $0x600, s19  }
0x335: {  	[hbm4b:s28+s2] =	stream.linear.scatter [tilespmem:s12], [sflag:$0x2], $0xD00, $0x38;
	[tilespmem:$0xB400] =	vst v63  }
0x336: {  	s29 =	sadd.s32 $0x800, s19  }
0x337: {  	[hbm4b:s29+s2] =	stream.linear.scatter [tilespmem:s13], [sflag:$0x2], $0xD00, $0x38;
	[tilespmem:$0xB400] =	vst v63  }
0x338: {  	s18 =	sadd.s32 $0x1, s18;
	s30 =	sadd.s32 $0xA00, s19  }
0x339: {  	[hbm4b:s30+s2] =	stream.linear.scatter [tilespmem:s14], [sflag:$0x2], $0xD00, $0x38;
	[tilespmem:$0xB400] =	vst v63  }
0x33a: {  	p0 =	sne.s32 s18, $0x40;
	s31 =	sadd.s32 $0xC00, s19  }
0x33b: {  	[hbm4b:s31+s2] =	stream.linear.scatter [tilespmem:s15], [sflag:$0x2], $0xD00, $0x38;
	[tilespmem:$0xB400] =	vst v63  }
.Ltmp1:
0x33c: {  	s19 =	sadd.s32 $0xE00, s19;
	(pc) =	sbr.rel @p0 .LBB2_2-.Ltmp1, $4  }
0x33d: {  	[hbm4b:s19+s2] =	stream.linear.scatter [tilespmem:s16], [sflag:$0x2], $0xD00, $0x38;
	[tilespmem:$0xB400] =	vst v63  }
0x33e: {  	_ =	swait.ge [sflag:s7], $0x6800  }
0x33f: {  	[sflag:s7] =	ssyncset.done $0x0  }
0x340: {  	[sflag:s7] =	ssyncadd.s32 $0xFFFF9800  }
0x341: {  	s17 =	sadd.s32 $0x1, s17  }
0x342: {  	p0 =	sne.s32 s17, s6  }
.Ltmp2:
0x343: {  	_ = 	snop;
	(pc) =	sbr.rel @p0 .LBB2_1-.Ltmp2, $1  }
0x344: {  	_ =	sdelay $0x3  }
0x345: {  	_ =	sfence.sel $0x180000  }
0x346: {  	[bflag:$0x0] =	sbarrier.arrive $0xFFFF  }
0x347: {  	p0 =	sne.s32 s1, $0x0;
	_ =	strace $0x90000047  }
0x348: {  	s0 =	sadd.s32 @!p0 $0x100000, s0;
	[bflag:$0x2] =	sbarrier.arrive $0xFFFF  }
0x349: {  	[sflag:s0] =	ssyncadd.tile.s32 @!p0 $0x1;
	_ =	shalt  }
.Lfunc_end2:
_tile_overlayer_lowered:
.L_overlay_start_2:
0x34a: {  	(tag) =	ssettag $0x2  }
0x34b: {  	s0 =	rddreg [dreg:$0x0];
	s2 =	stileid.u32  }
0x34c: {  	s1 =	rddreg [dreg:$0x1];
	p0 =	sne.s32 s2, $0x0  }
0x34d: {  	s3 =	rddreg [dreg:$0x2];
	[bflag:$0x3] =	sbarrier.arrive $0xFFFF;
	s2 =	simm.s32 @!p0 $0x1C02  }
0x34e: {  	[timem:s3], [sflag:s2] =	dma.local @!p0 [hbm:s0], s1  }
0x34f: {  	s0 =	simm.s32 @!p0 $0x2  }
0x350: {  	_ =	swait.ge @!p0 [sflag:s0], s1  }
0x351: {  	s1 =	ssub.s32 @!p0 $0x0, s1;
	[sflag:s0] =	ssyncset.done @!p0 $0x0  }
0x352: {  	[sflag:s0] =	ssyncadd.s32 @!p0 s1  }
0x353: {  	[bflag:$0x3] =	sbarrier.arrive $0xFFFF  }
0x354: {  	_ =	shalt  }

</sc_bundles>
